<compile_context>
chip_gen: v7x
topology: tpu7x:2x2x1
jax: 0.10.2.dev20260603
libtpu: 0.0.44.dev20260713+nightly
codegen_flags: <defaults>
</compile_context>

<pallas_src>
import functools

import jax
import jax.numpy as jnp
from jax.experimental import pallas as pl
from jax.experimental.pallas import tpu as pltpu
from jax.experimental.pallas import tpu_sc as plsc

N = 10000
E = 320000
IN_CH = 128
HID = 64
G = 64
EPS = 1e-5

NC = 2
NS = 16
NW = NC * NS
CHUNK = 384
CH0 = 36
CH1 = 17
CHMAX = max(CH0, CH1)
TOT_CHKS = NS * (CH0 + CH1)
NPAD = 10240
RPT = NPAD // NS
DEGW = 16


@functools.lru_cache(maxsize=None)
def _sc_kernels():
    mesh = plsc.VectorSubcoreMesh(
        core_axis_name="c", subcore_axis_name="s", num_cores=NC, num_subcores=NS
    )
    params = pltpu.CompilerParams(use_tc_tiling_on_sc=False)

    @functools.partial(
        pl.kernel,
        out_type=jax.ShapeDtypeStruct((NC * NPAD, DEGW), jnp.float32),
        mesh=mesh,
        scratch_types=[
            pltpu.VMEM((CHMAX, CHUNK), jnp.int32),
            pltpu.VMEM((CHUNK, DEGW), jnp.float32),
            pltpu.VMEM_SHARED((NPAD, DEGW), jnp.float32),
            pltpu.SemaphoreType.DMA,
        ],
        compiler_params=params,
    )
    def sc_degree(dst_hbm, zeros_hbm, ones_hbm, out_hbm, dst_v, ones_v, acc,
                  sem):
        c = jax.lax.axis_index("c")
        s = jax.lax.axis_index("s")
        wid = c * NS + s
        nch = jnp.where(c == 0, CH0, CH1)
        pltpu.sync_copy(dst_hbm.at[wid], dst_v)
        pltpu.sync_copy(ones_hbm, ones_v)
        pltpu.sync_copy(
            zeros_hbm.at[pl.ds(s * RPT, RPT)], acc.at[pl.ds(s * RPT, RPT)]
        )
        plsc.subcore_barrier()

        def body(j, carry):
            pltpu.sync_copy(ones_v, acc.at[dst_v.at[j]], add=True)
            return carry

        jax.lax.fori_loop(0, nch, body, 0)
        plsc.subcore_barrier()
        pltpu.sync_copy(
            acc.at[pl.ds(s * RPT, RPT)],
            out_hbm.at[pl.ds(c * NPAD + s * RPT, RPT)],
        )

    @functools.partial(
        pl.kernel,
        out_type=jax.ShapeDtypeStruct((NC * NPAD, HID), jnp.float32),
        mesh=mesh,
        scratch_types=[
            pltpu.VMEM((CHMAX, CHUNK), jnp.int32),
            pltpu.VMEM((CHMAX, CHUNK), jnp.int32),
            pltpu.VMEM((CHUNK, HID), jnp.float32),
            pltpu.VMEM_SHARED((NPAD, HID), jnp.float32),
            pltpu.SemaphoreType.DMA,
        ],
        compiler_params=params,
    )
    def sc_aggregate(xs_hbm, src_hbm, dst_hbm, zeros_hbm, out_hbm,
                     src_v, dst_v, rows_v, acc, sem):
        c = jax.lax.axis_index("c")
        s = jax.lax.axis_index("s")
        wid = c * NS + s
        nch = jnp.where(c == 0, CH0, CH1)
        pltpu.sync_copy(src_hbm.at[wid], src_v)
        pltpu.sync_copy(dst_hbm.at[wid], dst_v)
        pltpu.sync_copy(
            zeros_hbm.at[pl.ds(s * RPT, RPT)], acc.at[pl.ds(s * RPT, RPT)]
        )
        plsc.subcore_barrier()

        def body(j, carry):
            pltpu.async_copy(xs_hbm.at[src_v.at[j]], rows_v, sem).wait()
            pltpu.sync_copy(rows_v, acc.at[dst_v.at[j]], add=True)
            return carry

        jax.lax.fori_loop(0, nch, body, 0)
        plsc.subcore_barrier()
        pltpu.sync_copy(
            acc.at[pl.ds(s * RPT, RPT)],
            out_hbm.at[pl.ds(c * NPAD + s * RPT, RPT)],
        )

    return sc_degree, sc_aggregate


def _sc_degree(dst_b, zeros16, ones16):
    return _sc_kernels()[0](dst_b, zeros16, ones16)


def _sc_aggregate(xs, src_b, dst_b, zeros64):
    return _sc_kernels()[1](xs, src_b, dst_b, zeros64)



def _dis_from_degp(degp):
    deg = degp[0, :N, 0:1] + degp[1, :N, 0:1] + 1.0
    return jax.lax.rsqrt(deg)


def _tc_prep_body(x_ref, w_ref, degp_ref, out_ref):
    dis = _dis_from_degp(degp_ref[...])
    xl = jnp.dot(x_ref[...], w_ref[...], preferred_element_type=jnp.float32)
    out_ref[0:N, :] = xl * dis
    out_ref[N:NPAD, :] = jnp.zeros((NPAD - N, HID), jnp.float32)


def _bn_relu(aggp, xs, degp, b, g, be):
    dis = _dis_from_degp(degp)
    t = (aggp[0, :N, :] + aggp[1, :N, :] + xs[:N, :]) * dis + b
    mu = jnp.mean(t, axis=0, keepdims=True)
    var = jnp.mean((t - mu) ** 2, axis=0, keepdims=True)
    h = (t - mu) * jax.lax.rsqrt(var + EPS) * g + be
    return jnp.maximum(h, 0.0)


def _tc_mid_body(aggp_ref, xs_ref, degp_ref, b_ref, g_ref, be_ref, w_ref,
                 out_ref):
    h = _bn_relu(aggp_ref[...], xs_ref[...], degp_ref[...],
                 b_ref[...], g_ref[...], be_ref[...])
    dis = _dis_from_degp(degp_ref[...])
    xl = jnp.dot(h, w_ref[...], preferred_element_type=jnp.float32)
    out_ref[0:N, :] = xl * dis
    out_ref[N:NPAD, :] = jnp.zeros((NPAD - N, HID), jnp.float32)


def _tc_head_body(aggp_ref, xs_ref, degp_ref, b_ref, g_ref, be_ref,
                  batch_ref, fw1_ref, fb1_ref, fw2_ref, fb2_ref, out_ref):
    h = _bn_relu(aggp_ref[...], xs_ref[...], degp_ref[...],
                 b_ref[...], g_ref[...], be_ref[...])
    gid = jax.lax.broadcasted_iota(jnp.int32, (N, G), 1)
    onehot = (batch_ref[...] == gid).astype(jnp.float32)
    dn = (((0,), (0,)), ((), ()))
    sums = jax.lax.dot_general(onehot, h, dn,
                               preferred_element_type=jnp.float32)
    cnts = jax.lax.dot_general(onehot, jnp.ones((N, 1), jnp.float32), dn,
                               preferred_element_type=jnp.float32)
    pooled = sums / jnp.maximum(cnts, 1.0)
    h2 = jnp.maximum(
        jnp.dot(pooled, fw1_ref[...], preferred_element_type=jnp.float32)
        + fb1_ref[...], 0.0)
    o = jnp.dot(h2, fw2_ref[...], preferred_element_type=jnp.float32) \
        + fb2_ref[...]
    out_ref[...] = 1.0 / (1.0 + jnp.exp(-o))


_tc_prep = pl.pallas_call(
    _tc_prep_body,
    out_shape=jax.ShapeDtypeStruct((NPAD, HID), jnp.float32),
)

_tc_mid = pl.pallas_call(
    _tc_mid_body,
    out_shape=jax.ShapeDtypeStruct((NPAD, HID), jnp.float32),
)

_tc_head = pl.pallas_call(
    _tc_head_body,
    out_shape=jax.ShapeDtypeStruct((G, 2), jnp.float32),
)


def kernel(x, edge_index, batch, W1, b1, W2, b2, W3, b3, g1, be1, g2, be2,
           g3, be3, fcW1, fcb1, fcW2, fcb2):
    src = edge_index[0].astype(jnp.int32)
    dst = edge_index[1].astype(jnp.int32)
    def _split(idx):
        flat = jnp.concatenate(
            [idx, jnp.full((TOT_CHKS * CHUNK - E,), N, jnp.int32)])
        c0 = flat[: NS * CH0 * CHUNK].reshape(NS, CH0, CHUNK)
        c1 = flat[NS * CH0 * CHUNK:].reshape(NS, CH1, CHUNK)
        c0 = jnp.concatenate(
            [c0, jnp.full((NS, CHMAX - CH0, CHUNK), N, jnp.int32)], axis=1)
        c1 = jnp.concatenate(
            [c1, jnp.full((NS, CHMAX - CH1, CHUNK), N, jnp.int32)], axis=1)
        return jnp.concatenate([c0, c1], axis=0)

    src_b = _split(src)
    dst_b = _split(dst)

    zeros64 = jnp.zeros((NPAD, HID), jnp.float32)
    zeros16 = jnp.zeros((NPAD, DEGW), jnp.float32)
    ones16 = jnp.ones((CHUNK, DEGW), jnp.float32)

    degp = _sc_degree(dst_b, zeros16, ones16).reshape(NC, NPAD, DEGW)

    b1r, b2r, b3r = b1.reshape(1, HID), b2.reshape(1, HID), b3.reshape(1, HID)
    g1r, g2r, g3r = g1.reshape(1, HID), g2.reshape(1, HID), g3.reshape(1, HID)
    be1r, be2r, be3r = (be1.reshape(1, HID), be2.reshape(1, HID),
                        be3.reshape(1, HID))

    xs1 = _tc_prep(x, W1, degp)
    agg1 = _sc_aggregate(xs1, src_b, dst_b, zeros64).reshape(NC, NPAD, HID)
    xs2 = _tc_mid(agg1, xs1, degp, b1r, g1r, be1r, W2)
    agg2 = _sc_aggregate(xs2, src_b, dst_b, zeros64).reshape(NC, NPAD, HID)
    xs3 = _tc_mid(agg2, xs2, degp, b2r, g2r, be2r, W3)
    agg3 = _sc_aggregate(xs3, src_b, dst_b, zeros64).reshape(NC, NPAD, HID)

    batch2d = batch.astype(jnp.int32).reshape(N, 1)
    return _tc_head(agg3, xs3, degp, b3r, g3r, be3r, batch2d,
                    fcW1, fcb1.reshape(1, 32), fcW2, fcb2.reshape(1, 2))

# --- scband reference (transcript-rebuilt; emitter-appended) ---
"""Pipeline reference for scband-health-gnn-70549132804339 (READ-ONLY COPY).

The authoritative reference and input builder live on the scoring server;
editing this copy changes nothing except your own understanding.
"""

import jax, jax.numpy as jnp
import numpy as np

N_NODES = 10000
N_EDGES = 320000
IN_CH = 128
HID = 64
OUT = 2
N_GRAPHS = 64
EPS = 1e-5


def setup_inputs(seed: int = 0) -> dict:
    key = jax.random.key(seed)
    ks = jax.random.split(key, 16)
    x = jax.random.normal(ks[0], (N_NODES, IN_CH), dtype=jnp.float32)
    edge_index = jax.random.randint(ks[1], (2, N_EDGES), 0, N_NODES, dtype=jnp.int64)
    batch = jnp.sort(jax.random.randint(ks[2], (N_NODES,), 0, N_GRAPHS, dtype=jnp.int64))
    def glorot(k, shape):
        lim = (6.0 / (shape[0] + shape[1])) ** 0.5
        return jax.random.uniform(k, shape, dtype=jnp.float32, minval=-lim, maxval=lim)
    return {
        "x": x,
        "edge_index": edge_index,
        "batch": batch,
        "W1": glorot(ks[3], (IN_CH, HID)), "b1": jnp.zeros((HID,), jnp.float32),
        "W2": glorot(ks[4], (HID, HID)), "b2": jnp.zeros((HID,), jnp.float32),
        "W3": glorot(ks[5], (HID, HID)), "b3": jnp.zeros((HID,), jnp.float32),
        "g1": jnp.ones((HID,), jnp.float32), "be1": jnp.zeros((HID,), jnp.float32),
        "g2": jnp.ones((HID,), jnp.float32), "be2": jnp.zeros((HID,), jnp.float32),
        "g3": jnp.ones((HID,), jnp.float32), "be3": jnp.zeros((HID,), jnp.float32),
        "fcW1": glorot(ks[6], (HID, 32)), "fcb1": jnp.zeros((32,), jnp.float32),
        "fcW2": glorot(ks[7], (32, OUT)), "fcb2": jnp.zeros((OUT,), jnp.float32),
    }


def _gcn_conv(x, src, dst, W, b, n):
    xl = x @ W
    loop = jnp.arange(n, dtype=src.dtype)
    s = jnp.concatenate([src, loop])
    d = jnp.concatenate([dst, loop])
    deg = jnp.zeros((n,), xl.dtype).at[d].add(1.0)
    dis = jnp.where(deg > 0, deg ** -0.5, 0.0)
    norm = dis[s] * dis[d]
    msg = xl[s] * norm[:, None]
    out = jnp.zeros((n, xl.shape[1]), xl.dtype).at[d].add(msg)
    return out + b


def _bn(x, g, be):
    mu = jnp.mean(x, axis=0)
    var = jnp.mean((x - mu) ** 2, axis=0)
    return (x - mu) / jnp.sqrt(var + EPS) * g + be


def reference(x, edge_index, batch, W1, b1, W2, b2, W3, b3, g1, be1, g2, be2, g3, be3, fcW1, fcb1, fcW2, fcb2):
    n = x.shape[0]
    src, dst = edge_index[0], edge_index[1]
    h = _gcn_conv(x, src, dst, W1, b1, n)
    h = jax.nn.relu(_bn(h, g1, be1))
    h = _gcn_conv(h, src, dst, W2, b2, n)
    h = jax.nn.relu(_bn(h, g2, be2))
    h = _gcn_conv(h, src, dst, W3, b3, n)
    h = jax.nn.relu(_bn(h, g3, be3))
    sums = jax.ops.segment_sum(h, batch, num_segments=N_GRAPHS)
    cnts = jax.ops.segment_sum(jnp.ones((n,), h.dtype), batch, num_segments=N_GRAPHS)
    pooled = sums / jnp.clip(cnts, 1.0)[:, None]
    # dropout is identity in eval mode
    h2 = jax.nn.relu(pooled @ fcW1 + fcb1)
    out = jax.nn.sigmoid(h2 @ fcW2 + fcb2)
    return out

if __name__ == "__main__":
    import jax
    _d = setup_inputs()
    print(jax.jit(kernel)(*tuple(_d.values())))

</pallas_src>

<mosaic_0001>
#map = affine_map<(d0, d1) -> (0, 0)>
#map1 = affine_map<(d0, d1) -> (0, 0, 0)>
module attributes {stable_mosaic.version = 14 : i64} {
  func.func @sc_aggregate(%arg0: i32, %arg1: i32, %arg2: memref<10240x64xf32, #tpu.memory_space<hbm>>, %arg3: memref<32x36x384xi32, #tpu.memory_space<hbm>>, %arg4: memref<32x36x384xi32, #tpu.memory_space<hbm>>, %arg5: memref<10240x64xf32, #tpu.memory_space<hbm>>, %arg6: memref<20480x64xf32, #tpu.memory_space<hbm>>, %arg7: memref<36x384xi32, #tpu.memory_space<vmem>>, %arg8: memref<36x384xi32, #tpu.memory_space<vmem>>, %arg9: memref<384x64xf32, #tpu.memory_space<vmem>>, %arg10: memref<10240x64xf32, #tpu.memory_space<vmem_shared>>, %arg11: memref<!tpu.dma_semaphore, #tpu.memory_space<semaphore_mem>>) attributes {dimension_semantics = [#tpu.dimension_semantics<core_parallel>, #tpu.dimension_semantics<subcore_parallel>], iteration_bounds = array<i64: 2, 16>, scalar_prefetch = 0 : i64, scratch_operands = 5 : i64, tpu.core_type = #tpu.core_type<sc_vector_subcore>, window_params = [{transform_indices = #map}, {transform_indices = #map1}, {transform_indices = #map1}, {transform_indices = #map}, {transform_indices = #map}]} {
    %mul3A = arith.constant 16 : i32
    %mul3A_0 = arith.muli %arg0, %mul3A : i32
    %add3A = arith.addi %mul3A_0, %arg1 : i32
    %eq3A = arith.constant 0 : i32
    %eq3A_1 = arith.cmpi eq, %arg0, %eq3A : i32
    %jit3A = arith.constant 36 : i32
    %jit3A_2 = arith.constant 17 : i32
    %select_n3A = arith.select %eq3A_1, %jit3A, %jit3A_2 : i32
    "tpu.region"() ({
      %run_scoped3A = tpu.sem_alloc : memref<!tpu.dma_semaphore, #tpu.memory_space<semaphore_mem>>
      %dma_start3A = arith.constant 0 : i32
      %dma_start3A_24 = arith.constant 0 : i32
      %dma_start3A_25 = tpu.memref_slice %arg3[%add3A, %dma_start3A, %dma_start3A_24] : memref<32x36x384xi32, #tpu.memory_space<hbm>> -> memref<1x36x384xi32, #tpu.memory_space<hbm>>
      %dma_start3A_26 = tpu.memref_squeeze %dma_start3A_25 : memref<1x36x384xi32, #tpu.memory_space<hbm>> -> memref<36x384xi32, #tpu.memory_space<hbm>>
      %dma_start3A_27 = arith.constant 0 : i32
      %dma_start3A_28 = arith.constant 0 : i32
      %dma_start3A_29 = tpu.memref_slice %arg3[%add3A, %dma_start3A_27, %dma_start3A_28] : memref<32x36x384xi32, #tpu.memory_space<hbm>> -> memref<1x36x384xi32, #tpu.memory_space<hbm>>
      %dma_start3A_30 = tpu.memref_squeeze %dma_start3A_29 : memref<1x36x384xi32, #tpu.memory_space<hbm>> -> memref<36x384xi32, #tpu.memory_space<hbm>>
      tpu.enqueue_dma source(%dma_start3A_30 : memref<36x384xi32, #tpu.memory_space<hbm>>) target(%arg7 : memref<36x384xi32, #tpu.memory_space<vmem>>) target_semaphore(%run_scoped3A : memref<!tpu.dma_semaphore, #tpu.memory_space<semaphore_mem>>)
      %dma_wait3A = arith.constant 0 : i32
      %dma_wait3A_31 = arith.constant 0 : i32
      %dma_wait3A_32 = tpu.memref_slice %arg3[%add3A, %dma_wait3A, %dma_wait3A_31] : memref<32x36x384xi32, #tpu.memory_space<hbm>> -> memref<1x36x384xi32, #tpu.memory_space<hbm>>
      %dma_wait3A_33 = tpu.memref_squeeze %dma_wait3A_32 : memref<1x36x384xi32, #tpu.memory_space<hbm>> -> memref<36x384xi32, #tpu.memory_space<hbm>>
      %dma_wait3A_34 = arith.constant 0 : i32
      %dma_wait3A_35 = arith.constant 0 : i32
      %dma_wait3A_36 = tpu.memref_slice %arg3[%add3A, %dma_wait3A_34, %dma_wait3A_35] : memref<32x36x384xi32, #tpu.memory_space<hbm>> -> memref<1x36x384xi32, #tpu.memory_space<hbm>>
      %dma_wait3A_37 = tpu.memref_squeeze %dma_wait3A_36 : memref<1x36x384xi32, #tpu.memory_space<hbm>> -> memref<36x384xi32, #tpu.memory_space<hbm>>
      tpu.wait_dma2 semaphore(%run_scoped3A : memref<!tpu.dma_semaphore, #tpu.memory_space<semaphore_mem>>) src(%dma_wait3A_37 : memref<36x384xi32, #tpu.memory_space<hbm>>) dst(%arg7 : memref<36x384xi32, #tpu.memory_space<vmem>>)
      tpu.yield
    }) : () -> ()
    "tpu.region"() ({
      %run_scoped3A = tpu.sem_alloc : memref<!tpu.dma_semaphore, #tpu.memory_space<semaphore_mem>>
      %dma_start3A = arith.constant 0 : i32
      %dma_start3A_24 = arith.constant 0 : i32
      %dma_start3A_25 = tpu.memref_slice %arg4[%add3A, %dma_start3A, %dma_start3A_24] : memref<32x36x384xi32, #tpu.memory_space<hbm>> -> memref<1x36x384xi32, #tpu.memory_space<hbm>>
      %dma_start3A_26 = tpu.memref_squeeze %dma_start3A_25 : memref<1x36x384xi32, #tpu.memory_space<hbm>> -> memref<36x384xi32, #tpu.memory_space<hbm>>
      %dma_start3A_27 = arith.constant 0 : i32
      %dma_start3A_28 = arith.constant 0 : i32
      %dma_start3A_29 = tpu.memref_slice %arg4[%add3A, %dma_start3A_27, %dma_start3A_28] : memref<32x36x384xi32, #tpu.memory_space<hbm>> -> memref<1x36x384xi32, #tpu.memory_space<hbm>>
      %dma_start3A_30 = tpu.memref_squeeze %dma_start3A_29 : memref<1x36x384xi32, #tpu.memory_space<hbm>> -> memref<36x384xi32, #tpu.memory_space<hbm>>
      tpu.enqueue_dma source(%dma_start3A_30 : memref<36x384xi32, #tpu.memory_space<hbm>>) target(%arg8 : memref<36x384xi32, #tpu.memory_space<vmem>>) target_semaphore(%run_scoped3A : memref<!tpu.dma_semaphore, #tpu.memory_space<semaphore_mem>>)
      %dma_wait3A = arith.constant 0 : i32
      %dma_wait3A_31 = arith.constant 0 : i32
      %dma_wait3A_32 = tpu.memref_slice %arg4[%add3A, %dma_wait3A, %dma_wait3A_31] : memref<32x36x384xi32, #tpu.memory_space<hbm>> -> memref<1x36x384xi32, #tpu.memory_space<hbm>>
      %dma_wait3A_33 = tpu.memref_squeeze %dma_wait3A_32 : memref<1x36x384xi32, #tpu.memory_space<hbm>> -> memref<36x384xi32, #tpu.memory_space<hbm>>
      %dma_wait3A_34 = arith.constant 0 : i32
      %dma_wait3A_35 = arith.constant 0 : i32
      %dma_wait3A_36 = tpu.memref_slice %arg4[%add3A, %dma_wait3A_34, %dma_wait3A_35] : memref<32x36x384xi32, #tpu.memory_space<hbm>> -> memref<1x36x384xi32, #tpu.memory_space<hbm>>
      %dma_wait3A_37 = tpu.memref_squeeze %dma_wait3A_36 : memref<1x36x384xi32, #tpu.memory_space<hbm>> -> memref<36x384xi32, #tpu.memory_space<hbm>>
      tpu.wait_dma2 semaphore(%run_scoped3A : memref<!tpu.dma_semaphore, #tpu.memory_space<semaphore_mem>>) src(%dma_wait3A_37 : memref<36x384xi32, #tpu.memory_space<hbm>>) dst(%arg8 : memref<36x384xi32, #tpu.memory_space<vmem>>)
      tpu.yield
    }) : () -> ()
    %mul3A_3 = arith.constant 640 : i32
    %mul3A_4 = arith.muli %arg1, %mul3A_3 : i32
    %mul3A_5 = arith.constant 640 : i32
    %mul3A_6 = arith.muli %arg1, %mul3A_5 : i32
    "tpu.region"() ({
      %run_scoped3A = tpu.sem_alloc : memref<!tpu.dma_semaphore, #tpu.memory_space<semaphore_mem>>
      %dma_start3A = arith.constant 0 : i32
      %dma_start3A_24 = tpu.memref_slice %arg10[%mul3A_6, %dma_start3A] : memref<10240x64xf32, #tpu.memory_space<vmem_shared>> -> memref<640x64xf32, #tpu.memory_space<vmem_shared>>
      %dma_start3A_25 = arith.constant 0 : i32
      %dma_start3A_26 = tpu.memref_slice %arg5[%mul3A_4, %dma_start3A_25] : memref<10240x64xf32, #tpu.memory_space<hbm>> -> memref<640x64xf32, #tpu.memory_space<hbm>>
      tpu.enqueue_dma source(%dma_start3A_26 : memref<640x64xf32, #tpu.memory_space<hbm>>) target(%dma_start3A_24 : memref<640x64xf32, #tpu.memory_space<vmem_shared>>) target_semaphore(%run_scoped3A : memref<!tpu.dma_semaphore, #tpu.memory_space<semaphore_mem>>)
      %dma_wait3A = arith.constant 0 : i32
      %dma_wait3A_27 = tpu.memref_slice %arg10[%mul3A_6, %dma_wait3A] : memref<10240x64xf32, #tpu.memory_space<vmem_shared>> -> memref<640x64xf32, #tpu.memory_space<vmem_shared>>
      %dma_wait3A_28 = arith.constant 0 : i32
      %dma_wait3A_29 = tpu.memref_slice %arg5[%mul3A_4, %dma_wait3A_28] : memref<10240x64xf32, #tpu.memory_space<hbm>> -> memref<640x64xf32, #tpu.memory_space<hbm>>
      tpu.wait_dma2 semaphore(%run_scoped3A : memref<!tpu.dma_semaphore, #tpu.memory_space<semaphore_mem>>) src(%dma_wait3A_29 : memref<640x64xf32, #tpu.memory_space<hbm>>) dst(%dma_wait3A_27 : memref<640x64xf32, #tpu.memory_space<vmem_shared>>)
      tpu.yield
    }) : () -> ()
    %barrier3A = arith.constant 0 : index
    tpu.barrier barrier_id(%barrier3A)
    %while3A = arith.constant 0 : i32
    %while3A_7 = arith.constant 0 : i32
    %while3A_8 = arith.subi %select_n3A, %while3A_7 : i32
    %while3A_9 = arith.addi %while3A_7, %while3A_8 : i32
    %while3A_10 = arith.constant 1 : i32
    %while3A_11 = arith.divsi %while3A_8, %while3A_10 : i32
    %while3A_12 = arith.muli %while3A_11, %while3A_10 : i32
    %while3A_13 = arith.addi %while3A_7, %while3A_12 : i32
    %while3A_14 = arith.constant 1 : i32
    scf.for %while3A_24 = %while3A_7 to %while3A_13 step %while3A_14  : i32 {
      %dma_start3A = arith.constant 0 : i32
      %dma_start3A_25 = tpu.memref_slice %arg7[%while3A_24, %dma_start3A] : memref<36x384xi32, #tpu.memory_space<vmem>> -> memref<1x384xi32, #tpu.memory_space<vmem>>
      %dma_start3A_26 = tpu.memref_squeeze %dma_start3A_25 : memref<1x384xi32, #tpu.memory_space<vmem>> -> memref<384xi32, #tpu.memory_space<vmem>>
      %dma_start3A_27 = arith.constant 0 : i32
      %dma_start3A_28 = arith.constant 0 : i32
      %dma_start3A_29 = tpu.memref_slice %arg2[%dma_start3A_27, %dma_start3A_28] : memref<10240x64xf32, #tpu.memory_space<hbm>> -> memref<10240x64xf32, #tpu.memory_space<hbm>>
      tpu.enqueue_indirect_dma source(%dma_start3A_29 : memref<10240x64xf32, #tpu.memory_space<hbm>>) target(%arg9 : memref<384x64xf32, #tpu.memory_space<vmem>>) offsets(%dma_start3A_26 : memref<384xi32, #tpu.memory_space<vmem>>) semaphore(%arg11 : memref<!tpu.dma_semaphore, #tpu.memory_space<semaphore_mem>>)
      %dma_wait3A = arith.constant 0 : i32
      %dma_wait3A_30 = tpu.memref_slice %arg7[%while3A_24, %dma_wait3A] : memref<36x384xi32, #tpu.memory_space<vmem>> -> memref<1x384xi32, #tpu.memory_space<vmem>>
      %dma_wait3A_31 = tpu.memref_squeeze %dma_wait3A_30 : memref<1x384xi32, #tpu.memory_space<vmem>> -> memref<384xi32, #tpu.memory_space<vmem>>
      %dma_wait3A_32 = arith.constant 0 : i32
      %dma_wait3A_33 = arith.constant 0 : i32
      %dma_wait3A_34 = tpu.memref_slice %arg2[%dma_wait3A_32, %dma_wait3A_33] : memref<10240x64xf32, #tpu.memory_space<hbm>> -> memref<10240x64xf32, #tpu.memory_space<hbm>>
      tpu.wait_indirect_dma semaphore(%arg11 : memref<!tpu.dma_semaphore, #tpu.memory_space<semaphore_mem>>) src(%dma_wait3A_34 : memref<10240x64xf32, #tpu.memory_space<hbm>>) dst(%arg9 : memref<384x64xf32, #tpu.memory_space<vmem>>)
      "tpu.region"() ({
        %run_scoped3A = tpu.sem_alloc : memref<!tpu.dma_semaphore, #tpu.memory_space<semaphore_mem>>
        %dma_start3A_35 = arith.constant 0 : i32
        %dma_start3A_36 = tpu.memref_slice %arg8[%while3A_24, %dma_start3A_35] : memref<36x384xi32, #tpu.memory_space<vmem>> -> memref<1x384xi32, #tpu.memory_space<vmem>>
        %dma_start3A_37 = tpu.memref_squeeze %dma_start3A_36 : memref<1x384xi32, #tpu.memory_space<vmem>> -> memref<384xi32, #tpu.memory_space<vmem>>
        %dma_start3A_38 = arith.constant 0 : i32
        %dma_start3A_39 = arith.constant 0 : i32
        %dma_start3A_40 = tpu.memref_slice %arg10[%dma_start3A_38, %dma_start3A_39] : memref<10240x64xf32, #tpu.memory_space<vmem_shared>> -> memref<10240x64xf32, #tpu.memory_space<vmem_shared>>
        tpu.enqueue_indirect_dma source(%arg9 : memref<384x64xf32, #tpu.memory_space<vmem>>) target(%dma_start3A_40 : memref<10240x64xf32, #tpu.memory_space<vmem_shared>>) offsets(%dma_start3A_37 : memref<384xi32, #tpu.memory_space<vmem>>) semaphore(%run_scoped3A : memref<!tpu.dma_semaphore, #tpu.memory_space<semaphore_mem>>) {add = true}
        %dma_wait3A_41 = arith.constant 0 : i32
        %dma_wait3A_42 = tpu.memref_slice %arg8[%while3A_24, %dma_wait3A_41] : memref<36x384xi32, #tpu.memory_space<vmem>> -> memref<1x384xi32, #tpu.memory_space<vmem>>
        %dma_wait3A_43 = tpu.memref_squeeze %dma_wait3A_42 : memref<1x384xi32, #tpu.memory_space<vmem>> -> memref<384xi32, #tpu.memory_space<vmem>>
        %dma_wait3A_44 = arith.constant 0 : i32
        %dma_wait3A_45 = arith.constant 0 : i32
        %dma_wait3A_46 = tpu.memref_slice %arg10[%dma_wait3A_44, %dma_wait3A_45] : memref<10240x64xf32, #tpu.memory_space<vmem_shared>> -> memref<10240x64xf32, #tpu.memory_space<vmem_shared>>
        tpu.wait_indirect_dma semaphore(%run_scoped3A : memref<!tpu.dma_semaphore, #tpu.memory_space<semaphore_mem>>) src(%arg9 : memref<384x64xf32, #tpu.memory_space<vmem>>) dst(%dma_wait3A_46 : memref<10240x64xf32, #tpu.memory_space<vmem_shared>>)
        tpu.yield
      }) : () -> ()
    }
    %while3A_15 = arith.constant 1 : i32
    scf.for %while3A_24 = %while3A_13 to %while3A_9 step %while3A_15  : i32 {
      %dma_start3A = arith.constant 0 : i32
      %dma_start3A_25 = tpu.memref_slice %arg7[%while3A_24, %dma_start3A] : memref<36x384xi32, #tpu.memory_space<vmem>> -> memref<1x384xi32, #tpu.memory_space<vmem>>
      %dma_start3A_26 = tpu.memref_squeeze %dma_start3A_25 : memref<1x384xi32, #tpu.memory_space<vmem>> -> memref<384xi32, #tpu.memory_space<vmem>>
      %dma_start3A_27 = arith.constant 0 : i32
      %dma_start3A_28 = arith.constant 0 : i32
      %dma_start3A_29 = tpu.memref_slice %arg2[%dma_start3A_27, %dma_start3A_28] : memref<10240x64xf32, #tpu.memory_space<hbm>> -> memref<10240x64xf32, #tpu.memory_space<hbm>>
      tpu.enqueue_indirect_dma source(%dma_start3A_29 : memref<10240x64xf32, #tpu.memory_space<hbm>>) target(%arg9 : memref<384x64xf32, #tpu.memory_space<vmem>>) offsets(%dma_start3A_26 : memref<384xi32, #tpu.memory_space<vmem>>) semaphore(%arg11 : memref<!tpu.dma_semaphore, #tpu.memory_space<semaphore_mem>>)
      %dma_wait3A = arith.constant 0 : i32
      %dma_wait3A_30 = tpu.memref_slice %arg7[%while3A_24, %dma_wait3A] : memref<36x384xi32, #tpu.memory_space<vmem>> -> memref<1x384xi32, #tpu.memory_space<vmem>>
      %dma_wait3A_31 = tpu.memref_squeeze %dma_wait3A_30 : memref<1x384xi32, #tpu.memory_space<vmem>> -> memref<384xi32, #tpu.memory_space<vmem>>
      %dma_wait3A_32 = arith.constant 0 : i32
      %dma_wait3A_33 = arith.constant 0 : i32
      %dma_wait3A_34 = tpu.memref_slice %arg2[%dma_wait3A_32, %dma_wait3A_33] : memref<10240x64xf32, #tpu.memory_space<hbm>> -> memref<10240x64xf32, #tpu.memory_space<hbm>>
      tpu.wait_indirect_dma semaphore(%arg11 : memref<!tpu.dma_semaphore, #tpu.memory_space<semaphore_mem>>) src(%dma_wait3A_34 : memref<10240x64xf32, #tpu.memory_space<hbm>>) dst(%arg9 : memref<384x64xf32, #tpu.memory_space<vmem>>)
      "tpu.region"() ({
        %run_scoped3A = tpu.sem_alloc : memref<!tpu.dma_semaphore, #tpu.memory_space<semaphore_mem>>
        %dma_start3A_35 = arith.constant 0 : i32
        %dma_start3A_36 = tpu.memref_slice %arg8[%while3A_24, %dma_start3A_35] : memref<36x384xi32, #tpu.memory_space<vmem>> -> memref<1x384xi32, #tpu.memory_space<vmem>>
        %dma_start3A_37 = tpu.memref_squeeze %dma_start3A_36 : memref<1x384xi32, #tpu.memory_space<vmem>> -> memref<384xi32, #tpu.memory_space<vmem>>
        %dma_start3A_38 = arith.constant 0 : i32
        %dma_start3A_39 = arith.constant 0 : i32
        %dma_start3A_40 = tpu.memref_slice %arg10[%dma_start3A_38, %dma_start3A_39] : memref<10240x64xf32, #tpu.memory_space<vmem_shared>> -> memref<10240x64xf32, #tpu.memory_space<vmem_shared>>
        tpu.enqueue_indirect_dma source(%arg9 : memref<384x64xf32, #tpu.memory_space<vmem>>) target(%dma_start3A_40 : memref<10240x64xf32, #tpu.memory_space<vmem_shared>>) offsets(%dma_start3A_37 : memref<384xi32, #tpu.memory_space<vmem>>) semaphore(%run_scoped3A : memref<!tpu.dma_semaphore, #tpu.memory_space<semaphore_mem>>) {add = true}
        %dma_wait3A_41 = arith.constant 0 : i32
        %dma_wait3A_42 = tpu.memref_slice %arg8[%while3A_24, %dma_wait3A_41] : memref<36x384xi32, #tpu.memory_space<vmem>> -> memref<1x384xi32, #tpu.memory_space<vmem>>
        %dma_wait3A_43 = tpu.memref_squeeze %dma_wait3A_42 : memref<1x384xi32, #tpu.memory_space<vmem>> -> memref<384xi32, #tpu.memory_space<vmem>>
        %dma_wait3A_44 = arith.constant 0 : i32
        %dma_wait3A_45 = arith.constant 0 : i32
        %dma_wait3A_46 = tpu.memref_slice %arg10[%dma_wait3A_44, %dma_wait3A_45] : memref<10240x64xf32, #tpu.memory_space<vmem_shared>> -> memref<10240x64xf32, #tpu.memory_space<vmem_shared>>
        tpu.wait_indirect_dma semaphore(%run_scoped3A : memref<!tpu.dma_semaphore, #tpu.memory_space<semaphore_mem>>) src(%arg9 : memref<384x64xf32, #tpu.memory_space<vmem>>) dst(%dma_wait3A_46 : memref<10240x64xf32, #tpu.memory_space<vmem_shared>>)
        tpu.yield
      }) : () -> ()
    }
    %barrier3A_16 = arith.constant 0 : index
    tpu.barrier barrier_id(%barrier3A_16)
    %mul3A_17 = arith.constant 640 : i32
    %mul3A_18 = arith.muli %arg1, %mul3A_17 : i32
    %mul3A_19 = arith.constant 10240 : i32
    %mul3A_20 = arith.muli %arg0, %mul3A_19 : i32
    %mul3A_21 = arith.constant 640 : i32
    %mul3A_22 = arith.muli %arg1, %mul3A_21 : i32
    %add3A_23 = arith.addi %mul3A_20, %mul3A_22 : i32
    "tpu.region"() ({
      %run_scoped3A = tpu.sem_alloc : memref<!tpu.dma_semaphore, #tpu.memory_space<semaphore_mem>>
      %dma_start3A = arith.constant 0 : i32
      %dma_start3A_24 = tpu.memref_slice %arg6[%add3A_23, %dma_start3A] : memref<20480x64xf32, #tpu.memory_space<hbm>> -> memref<640x64xf32, #tpu.memory_space<hbm>>
      %dma_start3A_25 = arith.constant 0 : i32
      %dma_start3A_26 = tpu.memref_slice %arg10[%mul3A_18, %dma_start3A_25] : memref<10240x64xf32, #tpu.memory_space<vmem_shared>> -> memref<640x64xf32, #tpu.memory_space<vmem_shared>>
      tpu.enqueue_dma source(%dma_start3A_26 : memref<640x64xf32, #tpu.memory_space<vmem_shared>>) target(%dma_start3A_24 : memref<640x64xf32, #tpu.memory_space<hbm>>) target_semaphore(%run_scoped3A : memref<!tpu.dma_semaphore, #tpu.memory_space<semaphore_mem>>)
      %dma_wait3A = arith.constant 0 : i32
      %dma_wait3A_27 = tpu.memref_slice %arg6[%add3A_23, %dma_wait3A] : memref<20480x64xf32, #tpu.memory_space<hbm>> -> memref<640x64xf32, #tpu.memory_space<hbm>>
      %dma_wait3A_28 = arith.constant 0 : i32
      %dma_wait3A_29 = tpu.memref_slice %arg10[%mul3A_18, %dma_wait3A_28] : memref<10240x64xf32, #tpu.memory_space<vmem_shared>> -> memref<640x64xf32, #tpu.memory_space<vmem_shared>>
      tpu.wait_dma2 semaphore(%run_scoped3A : memref<!tpu.dma_semaphore, #tpu.memory_space<semaphore_mem>>) src(%dma_wait3A_29 : memref<640x64xf32, #tpu.memory_space<vmem_shared>>) dst(%dma_wait3A_27 : memref<640x64xf32, #tpu.memory_space<hbm>>)
      tpu.yield
    }) : () -> ()
    return
  }
}

#map = affine_map<(d0, d1) -> (0, 0, 0)>
#map1 = affine_map<(d0, d1) -> (0, 0)>
module attributes {stable_mosaic.version = 14 : i64} {
  func.func @sc_degree(%arg0: i32, %arg1: i32, %arg2: memref<32x36x384xi32, #tpu.memory_space<hbm>>, %arg3: memref<10240x16xf32, #tpu.memory_space<hbm>>, %arg4: memref<384x16xf32, #tpu.memory_space<hbm>>, %arg5: memref<20480x16xf32, #tpu.memory_space<hbm>>, %arg6: memref<36x384xi32, #tpu.memory_space<vmem>>, %arg7: memref<384x16xf32, #tpu.memory_space<vmem>>, %arg8: memref<10240x16xf32, #tpu.memory_space<vmem_shared>>, %arg9: memref<!tpu.dma_semaphore, #tpu.memory_space<semaphore_mem>>) attributes {dimension_semantics = [#tpu.dimension_semantics<core_parallel>, #tpu.dimension_semantics<subcore_parallel>], iteration_bounds = array<i64: 2, 16>, scalar_prefetch = 0 : i64, scratch_operands = 4 : i64, tpu.core_type = #tpu.core_type<sc_vector_subcore>, window_params = [{transform_indices = #map}, {transform_indices = #map1}, {transform_indices = #map1}, {transform_indices = #map1}]} {
    %mul3A = arith.constant 16 : i32
    %mul3A_0 = arith.muli %arg0, %mul3A : i32
    %add3A = arith.addi %mul3A_0, %arg1 : i32
    %eq3A = arith.constant 0 : i32
    %eq3A_1 = arith.cmpi eq, %arg0, %eq3A : i32
    %jit3A = arith.constant 36 : i32
    %jit3A_2 = arith.constant 17 : i32
    %select_n3A = arith.select %eq3A_1, %jit3A, %jit3A_2 : i32
    "tpu.region"() ({
      %run_scoped3A = tpu.sem_alloc : memref<!tpu.dma_semaphore, #tpu.memory_space<semaphore_mem>>
      %dma_start3A = arith.constant 0 : i32
      %dma_start3A_24 = arith.constant 0 : i32
      %dma_start3A_25 = tpu.memref_slice %arg2[%add3A, %dma_start3A, %dma_start3A_24] : memref<32x36x384xi32, #tpu.memory_space<hbm>> -> memref<1x36x384xi32, #tpu.memory_space<hbm>>
      %dma_start3A_26 = tpu.memref_squeeze %dma_start3A_25 : memref<1x36x384xi32, #tpu.memory_space<hbm>> -> memref<36x384xi32, #tpu.memory_space<hbm>>
      %dma_start3A_27 = arith.constant 0 : i32
      %dma_start3A_28 = arith.constant 0 : i32
      %dma_start3A_29 = tpu.memref_slice %arg2[%add3A, %dma_start3A_27, %dma_start3A_28] : memref<32x36x384xi32, #tpu.memory_space<hbm>> -> memref<1x36x384xi32, #tpu.memory_space<hbm>>
      %dma_start3A_30 = tpu.memref_squeeze %dma_start3A_29 : memref<1x36x384xi32, #tpu.memory_space<hbm>> -> memref<36x384xi32, #tpu.memory_space<hbm>>
      tpu.enqueue_dma source(%dma_start3A_30 : memref<36x384xi32, #tpu.memory_space<hbm>>) target(%arg6 : memref<36x384xi32, #tpu.memory_space<vmem>>) target_semaphore(%run_scoped3A : memref<!tpu.dma_semaphore, #tpu.memory_space<semaphore_mem>>)
      %dma_wait3A = arith.constant 0 : i32
      %dma_wait3A_31 = arith.constant 0 : i32
      %dma_wait3A_32 = tpu.memref_slice %arg2[%add3A, %dma_wait3A, %dma_wait3A_31] : memref<32x36x384xi32, #tpu.memory_space<hbm>> -> memref<1x36x384xi32, #tpu.memory_space<hbm>>
      %dma_wait3A_33 = tpu.memref_squeeze %dma_wait3A_32 : memref<1x36x384xi32, #tpu.memory_space<hbm>> -> memref<36x384xi32, #tpu.memory_space<hbm>>
      %dma_wait3A_34 = arith.constant 0 : i32
      %dma_wait3A_35 = arith.constant 0 : i32
      %dma_wait3A_36 = tpu.memref_slice %arg2[%add3A, %dma_wait3A_34, %dma_wait3A_35] : memref<32x36x384xi32, #tpu.memory_space<hbm>> -> memref<1x36x384xi32, #tpu.memory_space<hbm>>
      %dma_wait3A_37 = tpu.memref_squeeze %dma_wait3A_36 : memref<1x36x384xi32, #tpu.memory_space<hbm>> -> memref<36x384xi32, #tpu.memory_space<hbm>>
      tpu.wait_dma2 semaphore(%run_scoped3A : memref<!tpu.dma_semaphore, #tpu.memory_space<semaphore_mem>>) src(%dma_wait3A_37 : memref<36x384xi32, #tpu.memory_space<hbm>>) dst(%arg6 : memref<36x384xi32, #tpu.memory_space<vmem>>)
      tpu.yield
    }) : () -> ()
    "tpu.region"() ({
      %run_scoped3A = tpu.sem_alloc : memref<!tpu.dma_semaphore, #tpu.memory_space<semaphore_mem>>
      tpu.enqueue_dma source(%arg4 : memref<384x16xf32, #tpu.memory_space<hbm>>) target(%arg7 : memref<384x16xf32, #tpu.memory_space<vmem>>) target_semaphore(%run_scoped3A : memref<!tpu.dma_semaphore, #tpu.memory_space<semaphore_mem>>)
      tpu.wait_dma2 semaphore(%run_scoped3A : memref<!tpu.dma_semaphore, #tpu.memory_space<semaphore_mem>>) src(%arg4 : memref<384x16xf32, #tpu.memory_space<hbm>>) dst(%arg7 : memref<384x16xf32, #tpu.memory_space<vmem>>)
      tpu.yield
    }) : () -> ()
    %mul3A_3 = arith.constant 640 : i32
    %mul3A_4 = arith.muli %arg1, %mul3A_3 : i32
    %mul3A_5 = arith.constant 640 : i32
    %mul3A_6 = arith.muli %arg1, %mul3A_5 : i32
    "tpu.region"() ({
      %run_scoped3A = tpu.sem_alloc : memref<!tpu.dma_semaphore, #tpu.memory_space<semaphore_mem>>
      %dma_start3A = arith.constant 0 : i32
      %dma_start3A_24 = tpu.memref_slice %arg8[%mul3A_6, %dma_start3A] : memref<10240x16xf32, #tpu.memory_space<vmem_shared>> -> memref<640x16xf32, #tpu.memory_space<vmem_shared>>
      %dma_start3A_25 = arith.constant 0 : i32
      %dma_start3A_26 = tpu.memref_slice %arg3[%mul3A_4, %dma_start3A_25] : memref<10240x16xf32, #tpu.memory_space<hbm>> -> memref<640x16xf32, #tpu.memory_space<hbm>>
      tpu.enqueue_dma source(%dma_start3A_26 : memref<640x16xf32, #tpu.memory_space<hbm>>) target(%dma_start3A_24 : memref<640x16xf32, #tpu.memory_space<vmem_shared>>) target_semaphore(%run_scoped3A : memref<!tpu.dma_semaphore, #tpu.memory_space<semaphore_mem>>)
      %dma_wait3A = arith.constant 0 : i32
      %dma_wait3A_27 = tpu.memref_slice %arg8[%mul3A_6, %dma_wait3A] : memref<10240x16xf32, #tpu.memory_space<vmem_shared>> -> memref<640x16xf32, #tpu.memory_space<vmem_shared>>
      %dma_wait3A_28 = arith.constant 0 : i32
      %dma_wait3A_29 = tpu.memref_slice %arg3[%mul3A_4, %dma_wait3A_28] : memref<10240x16xf32, #tpu.memory_space<hbm>> -> memref<640x16xf32, #tpu.memory_space<hbm>>
      tpu.wait_dma2 semaphore(%run_scoped3A : memref<!tpu.dma_semaphore, #tpu.memory_space<semaphore_mem>>) src(%dma_wait3A_29 : memref<640x16xf32, #tpu.memory_space<hbm>>) dst(%dma_wait3A_27 : memref<640x16xf32, #tpu.memory_space<vmem_shared>>)
      tpu.yield
    }) : () -> ()
    %barrier3A = arith.constant 0 : index
    tpu.barrier barrier_id(%barrier3A)
    %while3A = arith.constant 0 : i32
    %while3A_7 = arith.constant 0 : i32
    %while3A_8 = arith.subi %select_n3A, %while3A_7 : i32
    %while3A_9 = arith.addi %while3A_7, %while3A_8 : i32
    %while3A_10 = arith.constant 1 : i32
    %while3A_11 = arith.divsi %while3A_8, %while3A_10 : i32
    %while3A_12 = arith.muli %while3A_11, %while3A_10 : i32
    %while3A_13 = arith.addi %while3A_7, %while3A_12 : i32
    %while3A_14 = arith.constant 1 : i32
    scf.for %while3A_24 = %while3A_7 to %while3A_13 step %while3A_14  : i32 {
      "tpu.region"() ({
        %run_scoped3A = tpu.sem_alloc : memref<!tpu.dma_semaphore, #tpu.memory_space<semaphore_mem>>
        %dma_start3A = arith.constant 0 : i32
        %dma_start3A_25 = tpu.memref_slice %arg6[%while3A_24, %dma_start3A] : memref<36x384xi32, #tpu.memory_space<vmem>> -> memref<1x384xi32, #tpu.memory_space<vmem>>
        %dma_start3A_26 = tpu.memref_squeeze %dma_start3A_25 : memref<1x384xi32, #tpu.memory_space<vmem>> -> memref<384xi32, #tpu.memory_space<vmem>>
        %dma_start3A_27 = arith.constant 0 : i32
        %dma_start3A_28 = arith.constant 0 : i32
        %dma_start3A_29 = tpu.memref_slice %arg8[%dma_start3A_27, %dma_start3A_28] : memref<10240x16xf32, #tpu.memory_space<vmem_shared>> -> memref<10240x16xf32, #tpu.memory_space<vmem_shared>>
        tpu.enqueue_indirect_dma source(%arg7 : memref<384x16xf32, #tpu.memory_space<vmem>>) target(%dma_start3A_29 : memref<10240x16xf32, #tpu.memory_space<vmem_shared>>) offsets(%dma_start3A_26 : memref<384xi32, #tpu.memory_space<vmem>>) semaphore(%run_scoped3A : memref<!tpu.dma_semaphore, #tpu.memory_space<semaphore_mem>>) {add = true}
        %dma_wait3A = arith.constant 0 : i32
        %dma_wait3A_30 = tpu.memref_slice %arg6[%while3A_24, %dma_wait3A] : memref<36x384xi32, #tpu.memory_space<vmem>> -> memref<1x384xi32, #tpu.memory_space<vmem>>
        %dma_wait3A_31 = tpu.memref_squeeze %dma_wait3A_30 : memref<1x384xi32, #tpu.memory_space<vmem>> -> memref<384xi32, #tpu.memory_space<vmem>>
        %dma_wait3A_32 = arith.constant 0 : i32
        %dma_wait3A_33 = arith.constant 0 : i32
        %dma_wait3A_34 = tpu.memref_slice %arg8[%dma_wait3A_32, %dma_wait3A_33] : memref<10240x16xf32, #tpu.memory_space<vmem_shared>> -> memref<10240x16xf32, #tpu.memory_space<vmem_shared>>
        tpu.wait_indirect_dma semaphore(%run_scoped3A : memref<!tpu.dma_semaphore, #tpu.memory_space<semaphore_mem>>) src(%arg7 : memref<384x16xf32, #tpu.memory_space<vmem>>) dst(%dma_wait3A_34 : memref<10240x16xf32, #tpu.memory_space<vmem_shared>>)
        tpu.yield
      }) : () -> ()
    }
    %while3A_15 = arith.constant 1 : i32
    scf.for %while3A_24 = %while3A_13 to %while3A_9 step %while3A_15  : i32 {
      "tpu.region"() ({
        %run_scoped3A = tpu.sem_alloc : memref<!tpu.dma_semaphore, #tpu.memory_space<semaphore_mem>>
        %dma_start3A = arith.constant 0 : i32
        %dma_start3A_25 = tpu.memref_slice %arg6[%while3A_24, %dma_start3A] : memref<36x384xi32, #tpu.memory_space<vmem>> -> memref<1x384xi32, #tpu.memory_space<vmem>>
        %dma_start3A_26 = tpu.memref_squeeze %dma_start3A_25 : memref<1x384xi32, #tpu.memory_space<vmem>> -> memref<384xi32, #tpu.memory_space<vmem>>
        %dma_start3A_27 = arith.constant 0 : i32
        %dma_start3A_28 = arith.constant 0 : i32
        %dma_start3A_29 = tpu.memref_slice %arg8[%dma_start3A_27, %dma_start3A_28] : memref<10240x16xf32, #tpu.memory_space<vmem_shared>> -> memref<10240x16xf32, #tpu.memory_space<vmem_shared>>
        tpu.enqueue_indirect_dma source(%arg7 : memref<384x16xf32, #tpu.memory_space<vmem>>) target(%dma_start3A_29 : memref<10240x16xf32, #tpu.memory_space<vmem_shared>>) offsets(%dma_start3A_26 : memref<384xi32, #tpu.memory_space<vmem>>) semaphore(%run_scoped3A : memref<!tpu.dma_semaphore, #tpu.memory_space<semaphore_mem>>) {add = true}
        %dma_wait3A = arith.constant 0 : i32
        %dma_wait3A_30 = tpu.memref_slice %arg6[%while3A_24, %dma_wait3A] : memref<36x384xi32, #tpu.memory_space<vmem>> -> memref<1x384xi32, #tpu.memory_space<vmem>>
        %dma_wait3A_31 = tpu.memref_squeeze %dma_wait3A_30 : memref<1x384xi32, #tpu.memory_space<vmem>> -> memref<384xi32, #tpu.memory_space<vmem>>
        %dma_wait3A_32 = arith.constant 0 : i32
        %dma_wait3A_33 = arith.constant 0 : i32
        %dma_wait3A_34 = tpu.memref_slice %arg8[%dma_wait3A_32, %dma_wait3A_33] : memref<10240x16xf32, #tpu.memory_space<vmem_shared>> -> memref<10240x16xf32, #tpu.memory_space<vmem_shared>>
        tpu.wait_indirect_dma semaphore(%run_scoped3A : memref<!tpu.dma_semaphore, #tpu.memory_space<semaphore_mem>>) src(%arg7 : memref<384x16xf32, #tpu.memory_space<vmem>>) dst(%dma_wait3A_34 : memref<10240x16xf32, #tpu.memory_space<vmem_shared>>)
        tpu.yield
      }) : () -> ()
    }
    %barrier3A_16 = arith.constant 0 : index
    tpu.barrier barrier_id(%barrier3A_16)
    %mul3A_17 = arith.constant 640 : i32
    %mul3A_18 = arith.muli %arg1, %mul3A_17 : i32
    %mul3A_19 = arith.constant 10240 : i32
    %mul3A_20 = arith.muli %arg0, %mul3A_19 : i32
    %mul3A_21 = arith.constant 640 : i32
    %mul3A_22 = arith.muli %arg1, %mul3A_21 : i32
    %add3A_23 = arith.addi %mul3A_20, %mul3A_22 : i32
    "tpu.region"() ({
      %run_scoped3A = tpu.sem_alloc : memref<!tpu.dma_semaphore, #tpu.memory_space<semaphore_mem>>
      %dma_start3A = arith.constant 0 : i32
      %dma_start3A_24 = tpu.memref_slice %arg5[%add3A_23, %dma_start3A] : memref<20480x16xf32, #tpu.memory_space<hbm>> -> memref<640x16xf32, #tpu.memory_space<hbm>>
      %dma_start3A_25 = arith.constant 0 : i32
      %dma_start3A_26 = tpu.memref_slice %arg8[%mul3A_18, %dma_start3A_25] : memref<10240x16xf32, #tpu.memory_space<vmem_shared>> -> memref<640x16xf32, #tpu.memory_space<vmem_shared>>
      tpu.enqueue_dma source(%dma_start3A_26 : memref<640x16xf32, #tpu.memory_space<vmem_shared>>) target(%dma_start3A_24 : memref<640x16xf32, #tpu.memory_space<hbm>>) target_semaphore(%run_scoped3A : memref<!tpu.dma_semaphore, #tpu.memory_space<semaphore_mem>>)
      %dma_wait3A = arith.constant 0 : i32
      %dma_wait3A_27 = tpu.memref_slice %arg5[%add3A_23, %dma_wait3A] : memref<20480x16xf32, #tpu.memory_space<hbm>> -> memref<640x16xf32, #tpu.memory_space<hbm>>
      %dma_wait3A_28 = arith.constant 0 : i32
      %dma_wait3A_29 = tpu.memref_slice %arg8[%mul3A_18, %dma_wait3A_28] : memref<10240x16xf32, #tpu.memory_space<vmem_shared>> -> memref<640x16xf32, #tpu.memory_space<vmem_shared>>
      tpu.wait_dma2 semaphore(%run_scoped3A : memref<!tpu.dma_semaphore, #tpu.memory_space<semaphore_mem>>) src(%dma_wait3A_29 : memref<640x16xf32, #tpu.memory_space<vmem_shared>>) dst(%dma_wait3A_27 : memref<640x16xf32, #tpu.memory_space<hbm>>)
      tpu.yield
    }) : () -> ()
    return
  }
}

#map = affine_map<(d0, d1) -> (0, 0)>
#map1 = affine_map<(d0, d1) -> (0, 0, 0)>
module attributes {stable_mosaic.version = 14 : i64} {
  func.func @sc_aggregate(%arg0: i32, %arg1: i32, %arg2: memref<10240x64xf32, #tpu.memory_space<hbm>>, %arg3: memref<32x36x384xi32, #tpu.memory_space<hbm>>, %arg4: memref<32x36x384xi32, #tpu.memory_space<hbm>>, %arg5: memref<10240x64xf32, #tpu.memory_space<hbm>>, %arg6: memref<20480x64xf32, #tpu.memory_space<hbm>>, %arg7: memref<36x384xi32, #tpu.memory_space<vmem>>, %arg8: memref<36x384xi32, #tpu.memory_space<vmem>>, %arg9: memref<384x64xf32, #tpu.memory_space<vmem>>, %arg10: memref<10240x64xf32, #tpu.memory_space<vmem_shared>>, %arg11: memref<!tpu.dma_semaphore, #tpu.memory_space<semaphore_mem>>) attributes {dimension_semantics = [#tpu.dimension_semantics<core_parallel>, #tpu.dimension_semantics<subcore_parallel>], iteration_bounds = array<i64: 2, 16>, scalar_prefetch = 0 : i64, scratch_operands = 5 : i64, tpu.core_type = #tpu.core_type<sc_vector_subcore>, window_params = [{transform_indices = #map}, {transform_indices = #map1}, {transform_indices = #map1}, {transform_indices = #map}, {transform_indices = #map}]} {
    %mul3A = arith.constant 16 : i32
    %mul3A_0 = arith.muli %arg0, %mul3A : i32
    %add3A = arith.addi %mul3A_0, %arg1 : i32
    %eq3A = arith.constant 0 : i32
    %eq3A_1 = arith.cmpi eq, %arg0, %eq3A : i32
    %jit3A = arith.constant 36 : i32
    %jit3A_2 = arith.constant 17 : i32
    %select_n3A = arith.select %eq3A_1, %jit3A, %jit3A_2 : i32
    "tpu.region"() ({
      %run_scoped3A = tpu.sem_alloc : memref<!tpu.dma_semaphore, #tpu.memory_space<semaphore_mem>>
      %dma_start3A = arith.constant 0 : i32
      %dma_start3A_24 = arith.constant 0 : i32
      %dma_start3A_25 = tpu.memref_slice %arg3[%add3A, %dma_start3A, %dma_start3A_24] : memref<32x36x384xi32, #tpu.memory_space<hbm>> -> memref<1x36x384xi32, #tpu.memory_space<hbm>>
      %dma_start3A_26 = tpu.memref_squeeze %dma_start3A_25 : memref<1x36x384xi32, #tpu.memory_space<hbm>> -> memref<36x384xi32, #tpu.memory_space<hbm>>
      %dma_start3A_27 = arith.constant 0 : i32
      %dma_start3A_28 = arith.constant 0 : i32
      %dma_start3A_29 = tpu.memref_slice %arg3[%add3A, %dma_start3A_27, %dma_start3A_28] : memref<32x36x384xi32, #tpu.memory_space<hbm>> -> memref<1x36x384xi32, #tpu.memory_space<hbm>>
      %dma_start3A_30 = tpu.memref_squeeze %dma_start3A_29 : memref<1x36x384xi32, #tpu.memory_space<hbm>> -> memref<36x384xi32, #tpu.memory_space<hbm>>
      tpu.enqueue_dma source(%dma_start3A_30 : memref<36x384xi32, #tpu.memory_space<hbm>>) target(%arg7 : memref<36x384xi32, #tpu.memory_space<vmem>>) target_semaphore(%run_scoped3A : memref<!tpu.dma_semaphore, #tpu.memory_space<semaphore_mem>>)
      %dma_wait3A = arith.constant 0 : i32
      %dma_wait3A_31 = arith.constant 0 : i32
      %dma_wait3A_32 = tpu.memref_slice %arg3[%add3A, %dma_wait3A, %dma_wait3A_31] : memref<32x36x384xi32, #tpu.memory_space<hbm>> -> memref<1x36x384xi32, #tpu.memory_space<hbm>>
      %dma_wait3A_33 = tpu.memref_squeeze %dma_wait3A_32 : memref<1x36x384xi32, #tpu.memory_space<hbm>> -> memref<36x384xi32, #tpu.memory_space<hbm>>
      %dma_wait3A_34 = arith.constant 0 : i32
      %dma_wait3A_35 = arith.constant 0 : i32
      %dma_wait3A_36 = tpu.memref_slice %arg3[%add3A, %dma_wait3A_34, %dma_wait3A_35] : memref<32x36x384xi32, #tpu.memory_space<hbm>> -> memref<1x36x384xi32, #tpu.memory_space<hbm>>
      %dma_wait3A_37 = tpu.memref_squeeze %dma_wait3A_36 : memref<1x36x384xi32, #tpu.memory_space<hbm>> -> memref<36x384xi32, #tpu.memory_space<hbm>>
      tpu.wait_dma2 semaphore(%run_scoped3A : memref<!tpu.dma_semaphore, #tpu.memory_space<semaphore_mem>>) src(%dma_wait3A_37 : memref<36x384xi32, #tpu.memory_space<hbm>>) dst(%arg7 : memref<36x384xi32, #tpu.memory_space<vmem>>)
      tpu.yield
    }) : () -> ()
    "tpu.region"() ({
      %run_scoped3A = tpu.sem_alloc : memref<!tpu.dma_semaphore, #tpu.memory_space<semaphore_mem>>
      %dma_start3A = arith.constant 0 : i32
      %dma_start3A_24 = arith.constant 0 : i32
      %dma_start3A_25 = tpu.memref_slice %arg4[%add3A, %dma_start3A, %dma_start3A_24] : memref<32x36x384xi32, #tpu.memory_space<hbm>> -> memref<1x36x384xi32, #tpu.memory_space<hbm>>
      %dma_start3A_26 = tpu.memref_squeeze %dma_start3A_25 : memref<1x36x384xi32, #tpu.memory_space<hbm>> -> memref<36x384xi32, #tpu.memory_space<hbm>>
      %dma_start3A_27 = arith.constant 0 : i32
      %dma_start3A_28 = arith.constant 0 : i32
      %dma_start3A_29 = tpu.memref_slice %arg4[%add3A, %dma_start3A_27, %dma_start3A_28] : memref<32x36x384xi32, #tpu.memory_space<hbm>> -> memref<1x36x384xi32, #tpu.memory_space<hbm>>
      %dma_start3A_30 = tpu.memref_squeeze %dma_start3A_29 : memref<1x36x384xi32, #tpu.memory_space<hbm>> -> memref<36x384xi32, #tpu.memory_space<hbm>>
      tpu.enqueue_dma source(%dma_start3A_30 : memref<36x384xi32, #tpu.memory_space<hbm>>) target(%arg8 : memref<36x384xi32, #tpu.memory_space<vmem>>) target_semaphore(%run_scoped3A : memref<!tpu.dma_semaphore, #tpu.memory_space<semaphore_mem>>)
      %dma_wait3A = arith.constant 0 : i32
      %dma_wait3A_31 = arith.constant 0 : i32
      %dma_wait3A_32 = tpu.memref_slice %arg4[%add3A, %dma_wait3A, %dma_wait3A_31] : memref<32x36x384xi32, #tpu.memory_space<hbm>> -> memref<1x36x384xi32, #tpu.memory_space<hbm>>
      %dma_wait3A_33 = tpu.memref_squeeze %dma_wait3A_32 : memref<1x36x384xi32, #tpu.memory_space<hbm>> -> memref<36x384xi32, #tpu.memory_space<hbm>>
      %dma_wait3A_34 = arith.constant 0 : i32
      %dma_wait3A_35 = arith.constant 0 : i32
      %dma_wait3A_36 = tpu.memref_slice %arg4[%add3A, %dma_wait3A_34, %dma_wait3A_35] : memref<32x36x384xi32, #tpu.memory_space<hbm>> -> memref<1x36x384xi32, #tpu.memory_space<hbm>>
      %dma_wait3A_37 = tpu.memref_squeeze %dma_wait3A_36 : memref<1x36x384xi32, #tpu.memory_space<hbm>> -> memref<36x384xi32, #tpu.memory_space<hbm>>
      tpu.wait_dma2 semaphore(%run_scoped3A : memref<!tpu.dma_semaphore, #tpu.memory_space<semaphore_mem>>) src(%dma_wait3A_37 : memref<36x384xi32, #tpu.memory_space<hbm>>) dst(%arg8 : memref<36x384xi32, #tpu.memory_space<vmem>>)
      tpu.yield
    }) : () -> ()
    %mul3A_3 = arith.constant 640 : i32
    %mul3A_4 = arith.muli %arg1, %mul3A_3 : i32
    %mul3A_5 = arith.constant 640 : i32
    %mul3A_6 = arith.muli %arg1, %mul3A_5 : i32
    "tpu.region"() ({
      %run_scoped3A = tpu.sem_alloc : memref<!tpu.dma_semaphore, #tpu.memory_space<semaphore_mem>>
      %dma_start3A = arith.constant 0 : i32
      %dma_start3A_24 = tpu.memref_slice %arg10[%mul3A_6, %dma_start3A] : memref<10240x64xf32, #tpu.memory_space<vmem_shared>> -> memref<640x64xf32, #tpu.memory_space<vmem_shared>>
      %dma_start3A_25 = arith.constant 0 : i32
      %dma_start3A_26 = tpu.memref_slice %arg5[%mul3A_4, %dma_start3A_25] : memref<10240x64xf32, #tpu.memory_space<hbm>> -> memref<640x64xf32, #tpu.memory_space<hbm>>
      tpu.enqueue_dma source(%dma_start3A_26 : memref<640x64xf32, #tpu.memory_space<hbm>>) target(%dma_start3A_24 : memref<640x64xf32, #tpu.memory_space<vmem_shared>>) target_semaphore(%run_scoped3A : memref<!tpu.dma_semaphore, #tpu.memory_space<semaphore_mem>>)
      %dma_wait3A = arith.constant 0 : i32
      %dma_wait3A_27 = tpu.memref_slice %arg10[%mul3A_6, %dma_wait3A] : memref<10240x64xf32, #tpu.memory_space<vmem_shared>> -> memref<640x64xf32, #tpu.memory_space<vmem_shared>>
      %dma_wait3A_28 = arith.constant 0 : i32
      %dma_wait3A_29 = tpu.memref_slice %arg5[%mul3A_4, %dma_wait3A_28] : memref<10240x64xf32, #tpu.memory_space<hbm>> -> memref<640x64xf32, #tpu.memory_space<hbm>>
      tpu.wait_dma2 semaphore(%run_scoped3A : memref<!tpu.dma_semaphore, #tpu.memory_space<semaphore_mem>>) src(%dma_wait3A_29 : memref<640x64xf32, #tpu.memory_space<hbm>>) dst(%dma_wait3A_27 : memref<640x64xf32, #tpu.memory_space<vmem_shared>>)
      tpu.yield
    }) : () -> ()
    %barrier3A = arith.constant 0 : index
    tpu.barrier barrier_id(%barrier3A)
    %while3A = arith.constant 0 : i32
    %while3A_7 = arith.constant 0 : i32
    %while3A_8 = arith.subi %select_n3A, %while3A_7 : i32
    %while3A_9 = arith.addi %while3A_7, %while3A_8 : i32
    %while3A_10 = arith.constant 1 : i32
    %while3A_11 = arith.divsi %while3A_8, %while3A_10 : i32
    %while3A_12 = arith.muli %while3A_11, %while3A_10 : i32
    %while3A_13 = arith.addi %while3A_7, %while3A_12 : i32
    %while3A_14 = arith.constant 1 : i32
    scf.for %while3A_24 = %while3A_7 to %while3A_13 step %while3A_14  : i32 {
      %dma_start3A = arith.constant 0 : i32
      %dma_start3A_25 = tpu.memref_slice %arg7[%while3A_24, %dma_start3A] : memref<36x384xi32, #tpu.memory_space<vmem>> -> memref<1x384xi32, #tpu.memory_space<vmem>>
      %dma_start3A_26 = tpu.memref_squeeze %dma_start3A_25 : memref<1x384xi32, #tpu.memory_space<vmem>> -> memref<384xi32, #tpu.memory_space<vmem>>
      %dma_start3A_27 = arith.constant 0 : i32
      %dma_start3A_28 = arith.constant 0 : i32
      %dma_start3A_29 = tpu.memref_slice %arg2[%dma_start3A_27, %dma_start3A_28] : memref<10240x64xf32, #tpu.memory_space<hbm>> -> memref<10240x64xf32, #tpu.memory_space<hbm>>
      tpu.enqueue_indirect_dma source(%dma_start3A_29 : memref<10240x64xf32, #tpu.memory_space<hbm>>) target(%arg9 : memref<384x64xf32, #tpu.memory_space<vmem>>) offsets(%dma_start3A_26 : memref<384xi32, #tpu.memory_space<vmem>>) semaphore(%arg11 : memref<!tpu.dma_semaphore, #tpu.memory_space<semaphore_mem>>)
      %dma_wait3A = arith.constant 0 : i32
      %dma_wait3A_30 = tpu.memref_slice %arg7[%while3A_24, %dma_wait3A] : memref<36x384xi32, #tpu.memory_space<vmem>> -> memref<1x384xi32, #tpu.memory_space<vmem>>
      %dma_wait3A_31 = tpu.memref_squeeze %dma_wait3A_30 : memref<1x384xi32, #tpu.memory_space<vmem>> -> memref<384xi32, #tpu.memory_space<vmem>>
      %dma_wait3A_32 = arith.constant 0 : i32
      %dma_wait3A_33 = arith.constant 0 : i32
      %dma_wait3A_34 = tpu.memref_slice %arg2[%dma_wait3A_32, %dma_wait3A_33] : memref<10240x64xf32, #tpu.memory_space<hbm>> -> memref<10240x64xf32, #tpu.memory_space<hbm>>
      tpu.wait_indirect_dma semaphore(%arg11 : memref<!tpu.dma_semaphore, #tpu.memory_space<semaphore_mem>>) src(%dma_wait3A_34 : memref<10240x64xf32, #tpu.memory_space<hbm>>) dst(%arg9 : memref<384x64xf32, #tpu.memory_space<vmem>>)
      "tpu.region"() ({
        %run_scoped3A = tpu.sem_alloc : memref<!tpu.dma_semaphore, #tpu.memory_space<semaphore_mem>>
        %dma_start3A_35 = arith.constant 0 : i32
        %dma_start3A_36 = tpu.memref_slice %arg8[%while3A_24, %dma_start3A_35] : memref<36x384xi32, #tpu.memory_space<vmem>> -> memref<1x384xi32, #tpu.memory_space<vmem>>
        %dma_start3A_37 = tpu.memref_squeeze %dma_start3A_36 : memref<1x384xi32, #tpu.memory_space<vmem>> -> memref<384xi32, #tpu.memory_space<vmem>>
        %dma_start3A_38 = arith.constant 0 : i32
        %dma_start3A_39 = arith.constant 0 : i32
        %dma_start3A_40 = tpu.memref_slice %arg10[%dma_start3A_38, %dma_start3A_39] : memref<10240x64xf32, #tpu.memory_space<vmem_shared>> -> memref<10240x64xf32, #tpu.memory_space<vmem_shared>>
        tpu.enqueue_indirect_dma source(%arg9 : memref<384x64xf32, #tpu.memory_space<vmem>>) target(%dma_start3A_40 : memref<10240x64xf32, #tpu.memory_space<vmem_shared>>) offsets(%dma_start3A_37 : memref<384xi32, #tpu.memory_space<vmem>>) semaphore(%run_scoped3A : memref<!tpu.dma_semaphore, #tpu.memory_space<semaphore_mem>>) {add = true}
        %dma_wait3A_41 = arith.constant 0 : i32
        %dma_wait3A_42 = tpu.memref_slice %arg8[%while3A_24, %dma_wait3A_41] : memref<36x384xi32, #tpu.memory_space<vmem>> -> memref<1x384xi32, #tpu.memory_space<vmem>>
        %dma_wait3A_43 = tpu.memref_squeeze %dma_wait3A_42 : memref<1x384xi32, #tpu.memory_space<vmem>> -> memref<384xi32, #tpu.memory_space<vmem>>
        %dma_wait3A_44 = arith.constant 0 : i32
        %dma_wait3A_45 = arith.constant 0 : i32
        %dma_wait3A_46 = tpu.memref_slice %arg10[%dma_wait3A_44, %dma_wait3A_45] : memref<10240x64xf32, #tpu.memory_space<vmem_shared>> -> memref<10240x64xf32, #tpu.memory_space<vmem_shared>>
        tpu.wait_indirect_dma semaphore(%run_scoped3A : memref<!tpu.dma_semaphore, #tpu.memory_space<semaphore_mem>>) src(%arg9 : memref<384x64xf32, #tpu.memory_space<vmem>>) dst(%dma_wait3A_46 : memref<10240x64xf32, #tpu.memory_space<vmem_shared>>)
        tpu.yield
      }) : () -> ()
    }
    %while3A_15 = arith.constant 1 : i32
    scf.for %while3A_24 = %while3A_13 to %while3A_9 step %while3A_15  : i32 {
      %dma_start3A = arith.constant 0 : i32
      %dma_start3A_25 = tpu.memref_slice %arg7[%while3A_24, %dma_start3A] : memref<36x384xi32, #tpu.memory_space<vmem>> -> memref<1x384xi32, #tpu.memory_space<vmem>>
      %dma_start3A_26 = tpu.memref_squeeze %dma_start3A_25 : memref<1x384xi32, #tpu.memory_space<vmem>> -> memref<384xi32, #tpu.memory_space<vmem>>
      %dma_start3A_27 = arith.constant 0 : i32
      %dma_start3A_28 = arith.constant 0 : i32
      %dma_start3A_29 = tpu.memref_slice %arg2[%dma_start3A_27, %dma_start3A_28] : memref<10240x64xf32, #tpu.memory_space<hbm>> -> memref<10240x64xf32, #tpu.memory_space<hbm>>
      tpu.enqueue_indirect_dma source(%dma_start3A_29 : memref<10240x64xf32, #tpu.memory_space<hbm>>) target(%arg9 : memref<384x64xf32, #tpu.memory_space<vmem>>) offsets(%dma_start3A_26 : memref<384xi32, #tpu.memory_space<vmem>>) semaphore(%arg11 : memref<!tpu.dma_semaphore, #tpu.memory_space<semaphore_mem>>)
      %dma_wait3A = arith.constant 0 : i32
      %dma_wait3A_30 = tpu.memref_slice %arg7[%while3A_24, %dma_wait3A] : memref<36x384xi32, #tpu.memory_space<vmem>> -> memref<1x384xi32, #tpu.memory_space<vmem>>
      %dma_wait3A_31 = tpu.memref_squeeze %dma_wait3A_30 : memref<1x384xi32, #tpu.memory_space<vmem>> -> memref<384xi32, #tpu.memory_space<vmem>>
      %dma_wait3A_32 = arith.constant 0 : i32
      %dma_wait3A_33 = arith.constant 0 : i32
      %dma_wait3A_34 = tpu.memref_slice %arg2[%dma_wait3A_32, %dma_wait3A_33] : memref<10240x64xf32, #tpu.memory_space<hbm>> -> memref<10240x64xf32, #tpu.memory_space<hbm>>
      tpu.wait_indirect_dma semaphore(%arg11 : memref<!tpu.dma_semaphore, #tpu.memory_space<semaphore_mem>>) src(%dma_wait3A_34 : memref<10240x64xf32, #tpu.memory_space<hbm>>) dst(%arg9 : memref<384x64xf32, #tpu.memory_space<vmem>>)
      "tpu.region"() ({
        %run_scoped3A = tpu.sem_alloc : memref<!tpu.dma_semaphore, #tpu.memory_space<semaphore_mem>>
        %dma_start3A_35 = arith.constant 0 : i32
        %dma_start3A_36 = tpu.memref_slice %arg8[%while3A_24, %dma_start3A_35] : memref<36x384xi32, #tpu.memory_space<vmem>> -> memref<1x384xi32, #tpu.memory_space<vmem>>
        %dma_start3A_37 = tpu.memref_squeeze %dma_start3A_36 : memref<1x384xi32, #tpu.memory_space<vmem>> -> memref<384xi32, #tpu.memory_space<vmem>>
        %dma_start3A_38 = arith.constant 0 : i32
        %dma_start3A_39 = arith.constant 0 : i32
        %dma_start3A_40 = tpu.memref_slice %arg10[%dma_start3A_38, %dma_start3A_39] : memref<10240x64xf32, #tpu.memory_space<vmem_shared>> -> memref<10240x64xf32, #tpu.memory_space<vmem_shared>>
        tpu.enqueue_indirect_dma source(%arg9 : memref<384x64xf32, #tpu.memory_space<vmem>>) target(%dma_start3A_40 : memref<10240x64xf32, #tpu.memory_space<vmem_shared>>) offsets(%dma_start3A_37 : memref<384xi32, #tpu.memory_space<vmem>>) semaphore(%run_scoped3A : memref<!tpu.dma_semaphore, #tpu.memory_space<semaphore_mem>>) {add = true}
        %dma_wait3A_41 = arith.constant 0 : i32
        %dma_wait3A_42 = tpu.memref_slice %arg8[%while3A_24, %dma_wait3A_41] : memref<36x384xi32, #tpu.memory_space<vmem>> -> memref<1x384xi32, #tpu.memory_space<vmem>>
        %dma_wait3A_43 = tpu.memref_squeeze %dma_wait3A_42 : memref<1x384xi32, #tpu.memory_space<vmem>> -> memref<384xi32, #tpu.memory_space<vmem>>
        %dma_wait3A_44 = arith.constant 0 : i32
        %dma_wait3A_45 = arith.constant 0 : i32
        %dma_wait3A_46 = tpu.memref_slice %arg10[%dma_wait3A_44, %dma_wait3A_45] : memref<10240x64xf32, #tpu.memory_space<vmem_shared>> -> memref<10240x64xf32, #tpu.memory_space<vmem_shared>>
        tpu.wait_indirect_dma semaphore(%run_scoped3A : memref<!tpu.dma_semaphore, #tpu.memory_space<semaphore_mem>>) src(%arg9 : memref<384x64xf32, #tpu.memory_space<vmem>>) dst(%dma_wait3A_46 : memref<10240x64xf32, #tpu.memory_space<vmem_shared>>)
        tpu.yield
      }) : () -> ()
    }
    %barrier3A_16 = arith.constant 0 : index
    tpu.barrier barrier_id(%barrier3A_16)
    %mul3A_17 = arith.constant 640 : i32
    %mul3A_18 = arith.muli %arg1, %mul3A_17 : i32
    %mul3A_19 = arith.constant 10240 : i32
    %mul3A_20 = arith.muli %arg0, %mul3A_19 : i32
    %mul3A_21 = arith.constant 640 : i32
    %mul3A_22 = arith.muli %arg1, %mul3A_21 : i32
    %add3A_23 = arith.addi %mul3A_20, %mul3A_22 : i32
    "tpu.region"() ({
      %run_scoped3A = tpu.sem_alloc : memref<!tpu.dma_semaphore, #tpu.memory_space<semaphore_mem>>
      %dma_start3A = arith.constant 0 : i32
      %dma_start3A_24 = tpu.memref_slice %arg6[%add3A_23, %dma_start3A] : memref<20480x64xf32, #tpu.memory_space<hbm>> -> memref<640x64xf32, #tpu.memory_space<hbm>>
      %dma_start3A_25 = arith.constant 0 : i32
      %dma_start3A_26 = tpu.memref_slice %arg10[%mul3A_18, %dma_start3A_25] : memref<10240x64xf32, #tpu.memory_space<vmem_shared>> -> memref<640x64xf32, #tpu.memory_space<vmem_shared>>
      tpu.enqueue_dma source(%dma_start3A_26 : memref<640x64xf32, #tpu.memory_space<vmem_shared>>) target(%dma_start3A_24 : memref<640x64xf32, #tpu.memory_space<hbm>>) target_semaphore(%run_scoped3A : memref<!tpu.dma_semaphore, #tpu.memory_space<semaphore_mem>>)
      %dma_wait3A = arith.constant 0 : i32
      %dma_wait3A_27 = tpu.memref_slice %arg6[%add3A_23, %dma_wait3A] : memref<20480x64xf32, #tpu.memory_space<hbm>> -> memref<640x64xf32, #tpu.memory_space<hbm>>
      %dma_wait3A_28 = arith.constant 0 : i32
      %dma_wait3A_29 = tpu.memref_slice %arg10[%mul3A_18, %dma_wait3A_28] : memref<10240x64xf32, #tpu.memory_space<vmem_shared>> -> memref<640x64xf32, #tpu.memory_space<vmem_shared>>
      tpu.wait_dma2 semaphore(%run_scoped3A : memref<!tpu.dma_semaphore, #tpu.memory_space<semaphore_mem>>) src(%dma_wait3A_29 : memref<640x64xf32, #tpu.memory_space<vmem_shared>>) dst(%dma_wait3A_27 : memref<640x64xf32, #tpu.memory_space<hbm>>)
      tpu.yield
    }) : () -> ()
    return
  }
}

#map = affine_map<(d0, d1) -> (0, 0)>
#map1 = affine_map<(d0, d1) -> (0, 0, 0)>
module attributes {stable_mosaic.version = 14 : i64} {
  func.func @sc_aggregate(%arg0: i32, %arg1: i32, %arg2: memref<10240x64xf32, #tpu.memory_space<hbm>>, %arg3: memref<32x36x384xi32, #tpu.memory_space<hbm>>, %arg4: memref<32x36x384xi32, #tpu.memory_space<hbm>>, %arg5: memref<10240x64xf32, #tpu.memory_space<hbm>>, %arg6: memref<20480x64xf32, #tpu.memory_space<hbm>>, %arg7: memref<36x384xi32, #tpu.memory_space<vmem>>, %arg8: memref<36x384xi32, #tpu.memory_space<vmem>>, %arg9: memref<384x64xf32, #tpu.memory_space<vmem>>, %arg10: memref<10240x64xf32, #tpu.memory_space<vmem_shared>>, %arg11: memref<!tpu.dma_semaphore, #tpu.memory_space<semaphore_mem>>) attributes {dimension_semantics = [#tpu.dimension_semantics<core_parallel>, #tpu.dimension_semantics<subcore_parallel>], iteration_bounds = array<i64: 2, 16>, scalar_prefetch = 0 : i64, scratch_operands = 5 : i64, tpu.core_type = #tpu.core_type<sc_vector_subcore>, window_params = [{transform_indices = #map}, {transform_indices = #map1}, {transform_indices = #map1}, {transform_indices = #map}, {transform_indices = #map}]} {
    %mul3A = arith.constant 16 : i32
    %mul3A_0 = arith.muli %arg0, %mul3A : i32
    %add3A = arith.addi %mul3A_0, %arg1 : i32
    %eq3A = arith.constant 0 : i32
    %eq3A_1 = arith.cmpi eq, %arg0, %eq3A : i32
    %jit3A = arith.constant 36 : i32
    %jit3A_2 = arith.constant 17 : i32
    %select_n3A = arith.select %eq3A_1, %jit3A, %jit3A_2 : i32
    "tpu.region"() ({
      %run_scoped3A = tpu.sem_alloc : memref<!tpu.dma_semaphore, #tpu.memory_space<semaphore_mem>>
      %dma_start3A = arith.constant 0 : i32
      %dma_start3A_24 = arith.constant 0 : i32
      %dma_start3A_25 = tpu.memref_slice %arg3[%add3A, %dma_start3A, %dma_start3A_24] : memref<32x36x384xi32, #tpu.memory_space<hbm>> -> memref<1x36x384xi32, #tpu.memory_space<hbm>>
      %dma_start3A_26 = tpu.memref_squeeze %dma_start3A_25 : memref<1x36x384xi32, #tpu.memory_space<hbm>> -> memref<36x384xi32, #tpu.memory_space<hbm>>
      %dma_start3A_27 = arith.constant 0 : i32
      %dma_start3A_28 = arith.constant 0 : i32
      %dma_start3A_29 = tpu.memref_slice %arg3[%add3A, %dma_start3A_27, %dma_start3A_28] : memref<32x36x384xi32, #tpu.memory_space<hbm>> -> memref<1x36x384xi32, #tpu.memory_space<hbm>>
      %dma_start3A_30 = tpu.memref_squeeze %dma_start3A_29 : memref<1x36x384xi32, #tpu.memory_space<hbm>> -> memref<36x384xi32, #tpu.memory_space<hbm>>
      tpu.enqueue_dma source(%dma_start3A_30 : memref<36x384xi32, #tpu.memory_space<hbm>>) target(%arg7 : memref<36x384xi32, #tpu.memory_space<vmem>>) target_semaphore(%run_scoped3A : memref<!tpu.dma_semaphore, #tpu.memory_space<semaphore_mem>>)
      %dma_wait3A = arith.constant 0 : i32
      %dma_wait3A_31 = arith.constant 0 : i32
      %dma_wait3A_32 = tpu.memref_slice %arg3[%add3A, %dma_wait3A, %dma_wait3A_31] : memref<32x36x384xi32, #tpu.memory_space<hbm>> -> memref<1x36x384xi32, #tpu.memory_space<hbm>>
      %dma_wait3A_33 = tpu.memref_squeeze %dma_wait3A_32 : memref<1x36x384xi32, #tpu.memory_space<hbm>> -> memref<36x384xi32, #tpu.memory_space<hbm>>
      %dma_wait3A_34 = arith.constant 0 : i32
      %dma_wait3A_35 = arith.constant 0 : i32
      %dma_wait3A_36 = tpu.memref_slice %arg3[%add3A, %dma_wait3A_34, %dma_wait3A_35] : memref<32x36x384xi32, #tpu.memory_space<hbm>> -> memref<1x36x384xi32, #tpu.memory_space<hbm>>
      %dma_wait3A_37 = tpu.memref_squeeze %dma_wait3A_36 : memref<1x36x384xi32, #tpu.memory_space<hbm>> -> memref<36x384xi32, #tpu.memory_space<hbm>>
      tpu.wait_dma2 semaphore(%run_scoped3A : memref<!tpu.dma_semaphore, #tpu.memory_space<semaphore_mem>>) src(%dma_wait3A_37 : memref<36x384xi32, #tpu.memory_space<hbm>>) dst(%arg7 : memref<36x384xi32, #tpu.memory_space<vmem>>)
      tpu.yield
    }) : () -> ()
    "tpu.region"() ({
      %run_scoped3A = tpu.sem_alloc : memref<!tpu.dma_semaphore, #tpu.memory_space<semaphore_mem>>
      %dma_start3A = arith.constant 0 : i32
      %dma_start3A_24 = arith.constant 0 : i32
      %dma_start3A_25 = tpu.memref_slice %arg4[%add3A, %dma_start3A, %dma_start3A_24] : memref<32x36x384xi32, #tpu.memory_space<hbm>> -> memref<1x36x384xi32, #tpu.memory_space<hbm>>
      %dma_start3A_26 = tpu.memref_squeeze %dma_start3A_25 : memref<1x36x384xi32, #tpu.memory_space<hbm>> -> memref<36x384xi32, #tpu.memory_space<hbm>>
      %dma_start3A_27 = arith.constant 0 : i32
      %dma_start3A_28 = arith.constant 0 : i32
      %dma_start3A_29 = tpu.memref_slice %arg4[%add3A, %dma_start3A_27, %dma_start3A_28] : memref<32x36x384xi32, #tpu.memory_space<hbm>> -> memref<1x36x384xi32, #tpu.memory_space<hbm>>
      %dma_start3A_30 = tpu.memref_squeeze %dma_start3A_29 : memref<1x36x384xi32, #tpu.memory_space<hbm>> -> memref<36x384xi32, #tpu.memory_space<hbm>>
      tpu.enqueue_dma source(%dma_start3A_30 : memref<36x384xi32, #tpu.memory_space<hbm>>) target(%arg8 : memref<36x384xi32, #tpu.memory_space<vmem>>) target_semaphore(%run_scoped3A : memref<!tpu.dma_semaphore, #tpu.memory_space<semaphore_mem>>)
      %dma_wait3A = arith.constant 0 : i32
      %dma_wait3A_31 = arith.constant 0 : i32
      %dma_wait3A_32 = tpu.memref_slice %arg4[%add3A, %dma_wait3A, %dma_wait3A_31] : memref<32x36x384xi32, #tpu.memory_space<hbm>> -> memref<1x36x384xi32, #tpu.memory_space<hbm>>
      %dma_wait3A_33 = tpu.memref_squeeze %dma_wait3A_32 : memref<1x36x384xi32, #tpu.memory_space<hbm>> -> memref<36x384xi32, #tpu.memory_space<hbm>>
      %dma_wait3A_34 = arith.constant 0 : i32
      %dma_wait3A_35 = arith.constant 0 : i32
      %dma_wait3A_36 = tpu.memref_slice %arg4[%add3A, %dma_wait3A_34, %dma_wait3A_35] : memref<32x36x384xi32, #tpu.memory_space<hbm>> -> memref<1x36x384xi32, #tpu.memory_space<hbm>>
      %dma_wait3A_37 = tpu.memref_squeeze %dma_wait3A_36 : memref<1x36x384xi32, #tpu.memory_space<hbm>> -> memref<36x384xi32, #tpu.memory_space<hbm>>
      tpu.wait_dma2 semaphore(%run_scoped3A : memref<!tpu.dma_semaphore, #tpu.memory_space<semaphore_mem>>) src(%dma_wait3A_37 : memref<36x384xi32, #tpu.memory_space<hbm>>) dst(%arg8 : memref<36x384xi32, #tpu.memory_space<vmem>>)
      tpu.yield
    }) : () -> ()
    %mul3A_3 = arith.constant 640 : i32
    %mul3A_4 = arith.muli %arg1, %mul3A_3 : i32
    %mul3A_5 = arith.constant 640 : i32
    %mul3A_6 = arith.muli %arg1, %mul3A_5 : i32
    "tpu.region"() ({
      %run_scoped3A = tpu.sem_alloc : memref<!tpu.dma_semaphore, #tpu.memory_space<semaphore_mem>>
      %dma_start3A = arith.constant 0 : i32
      %dma_start3A_24 = tpu.memref_slice %arg10[%mul3A_6, %dma_start3A] : memref<10240x64xf32, #tpu.memory_space<vmem_shared>> -> memref<640x64xf32, #tpu.memory_space<vmem_shared>>
      %dma_start3A_25 = arith.constant 0 : i32
      %dma_start3A_26 = tpu.memref_slice %arg5[%mul3A_4, %dma_start3A_25] : memref<10240x64xf32, #tpu.memory_space<hbm>> -> memref<640x64xf32, #tpu.memory_space<hbm>>
      tpu.enqueue_dma source(%dma_start3A_26 : memref<640x64xf32, #tpu.memory_space<hbm>>) target(%dma_start3A_24 : memref<640x64xf32, #tpu.memory_space<vmem_shared>>) target_semaphore(%run_scoped3A : memref<!tpu.dma_semaphore, #tpu.memory_space<semaphore_mem>>)
      %dma_wait3A = arith.constant 0 : i32
      %dma_wait3A_27 = tpu.memref_slice %arg10[%mul3A_6, %dma_wait3A] : memref<10240x64xf32, #tpu.memory_space<vmem_shared>> -> memref<640x64xf32, #tpu.memory_space<vmem_shared>>
      %dma_wait3A_28 = arith.constant 0 : i32
      %dma_wait3A_29 = tpu.memref_slice %arg5[%mul3A_4, %dma_wait3A_28] : memref<10240x64xf32, #tpu.memory_space<hbm>> -> memref<640x64xf32, #tpu.memory_space<hbm>>
      tpu.wait_dma2 semaphore(%run_scoped3A : memref<!tpu.dma_semaphore, #tpu.memory_space<semaphore_mem>>) src(%dma_wait3A_29 : memref<640x64xf32, #tpu.memory_space<hbm>>) dst(%dma_wait3A_27 : memref<640x64xf32, #tpu.memory_space<vmem_shared>>)
      tpu.yield
    }) : () -> ()
    %barrier3A = arith.constant 0 : index
    tpu.barrier barrier_id(%barrier3A)
    %while3A = arith.constant 0 : i32
    %while3A_7 = arith.constant 0 : i32
    %while3A_8 = arith.subi %select_n3A, %while3A_7 : i32
    %while3A_9 = arith.addi %while3A_7, %while3A_8 : i32
    %while3A_10 = arith.constant 1 : i32
    %while3A_11 = arith.divsi %while3A_8, %while3A_10 : i32
    %while3A_12 = arith.muli %while3A_11, %while3A_10 : i32
    %while3A_13 = arith.addi %while3A_7, %while3A_12 : i32
    %while3A_14 = arith.constant 1 : i32
    scf.for %while3A_24 = %while3A_7 to %while3A_13 step %while3A_14  : i32 {
      %dma_start3A = arith.constant 0 : i32
      %dma_start3A_25 = tpu.memref_slice %arg7[%while3A_24, %dma_start3A] : memref<36x384xi32, #tpu.memory_space<vmem>> -> memref<1x384xi32, #tpu.memory_space<vmem>>
      %dma_start3A_26 = tpu.memref_squeeze %dma_start3A_25 : memref<1x384xi32, #tpu.memory_space<vmem>> -> memref<384xi32, #tpu.memory_space<vmem>>
      %dma_start3A_27 = arith.constant 0 : i32
      %dma_start3A_28 = arith.constant 0 : i32
      %dma_start3A_29 = tpu.memref_slice %arg2[%dma_start3A_27, %dma_start3A_28] : memref<10240x64xf32, #tpu.memory_space<hbm>> -> memref<10240x64xf32, #tpu.memory_space<hbm>>
      tpu.enqueue_indirect_dma source(%dma_start3A_29 : memref<10240x64xf32, #tpu.memory_space<hbm>>) target(%arg9 : memref<384x64xf32, #tpu.memory_space<vmem>>) offsets(%dma_start3A_26 : memref<384xi32, #tpu.memory_space<vmem>>) semaphore(%arg11 : memref<!tpu.dma_semaphore, #tpu.memory_space<semaphore_mem>>)
      %dma_wait3A = arith.constant 0 : i32
      %dma_wait3A_30 = tpu.memref_slice %arg7[%while3A_24, %dma_wait3A] : memref<36x384xi32, #tpu.memory_space<vmem>> -> memref<1x384xi32, #tpu.memory_space<vmem>>
      %dma_wait3A_31 = tpu.memref_squeeze %dma_wait3A_30 : memref<1x384xi32, #tpu.memory_space<vmem>> -> memref<384xi32, #tpu.memory_space<vmem>>
      %dma_wait3A_32 = arith.constant 0 : i32
      %dma_wait3A_33 = arith.constant 0 : i32
      %dma_wait3A_34 = tpu.memref_slice %arg2[%dma_wait3A_32, %dma_wait3A_33] : memref<10240x64xf32, #tpu.memory_space<hbm>> -> memref<10240x64xf32, #tpu.memory_space<hbm>>
      tpu.wait_indirect_dma semaphore(%arg11 : memref<!tpu.dma_semaphore, #tpu.memory_space<semaphore_mem>>) src(%dma_wait3A_34 : memref<10240x64xf32, #tpu.memory_space<hbm>>) dst(%arg9 : memref<384x64xf32, #tpu.memory_space<vmem>>)
      "tpu.region"() ({
        %run_scoped3A = tpu.sem_alloc : memref<!tpu.dma_semaphore, #tpu.memory_space<semaphore_mem>>
        %dma_start3A_35 = arith.constant 0 : i32
        %dma_start3A_36 = tpu.memref_slice %arg8[%while3A_24, %dma_start3A_35] : memref<36x384xi32, #tpu.memory_space<vmem>> -> memref<1x384xi32, #tpu.memory_space<vmem>>
        %dma_start3A_37 = tpu.memref_squeeze %dma_start3A_36 : memref<1x384xi32, #tpu.memory_space<vmem>> -> memref<384xi32, #tpu.memory_space<vmem>>
        %dma_start3A_38 = arith.constant 0 : i32
        %dma_start3A_39 = arith.constant 0 : i32
        %dma_start3A_40 = tpu.memref_slice %arg10[%dma_start3A_38, %dma_start3A_39] : memref<10240x64xf32, #tpu.memory_space<vmem_shared>> -> memref<10240x64xf32, #tpu.memory_space<vmem_shared>>
        tpu.enqueue_indirect_dma source(%arg9 : memref<384x64xf32, #tpu.memory_space<vmem>>) target(%dma_start3A_40 : memref<10240x64xf32, #tpu.memory_space<vmem_shared>>) offsets(%dma_start3A_37 : memref<384xi32, #tpu.memory_space<vmem>>) semaphore(%run_scoped3A : memref<!tpu.dma_semaphore, #tpu.memory_space<semaphore_mem>>) {add = true}
        %dma_wait3A_41 = arith.constant 0 : i32
        %dma_wait3A_42 = tpu.memref_slice %arg8[%while3A_24, %dma_wait3A_41] : memref<36x384xi32, #tpu.memory_space<vmem>> -> memref<1x384xi32, #tpu.memory_space<vmem>>
        %dma_wait3A_43 = tpu.memref_squeeze %dma_wait3A_42 : memref<1x384xi32, #tpu.memory_space<vmem>> -> memref<384xi32, #tpu.memory_space<vmem>>
        %dma_wait3A_44 = arith.constant 0 : i32
        %dma_wait3A_45 = arith.constant 0 : i32
        %dma_wait3A_46 = tpu.memref_slice %arg10[%dma_wait3A_44, %dma_wait3A_45] : memref<10240x64xf32, #tpu.memory_space<vmem_shared>> -> memref<10240x64xf32, #tpu.memory_space<vmem_shared>>
        tpu.wait_indirect_dma semaphore(%run_scoped3A : memref<!tpu.dma_semaphore, #tpu.memory_space<semaphore_mem>>) src(%arg9 : memref<384x64xf32, #tpu.memory_space<vmem>>) dst(%dma_wait3A_46 : memref<10240x64xf32, #tpu.memory_space<vmem_shared>>)
        tpu.yield
      }) : () -> ()
    }
    %while3A_15 = arith.constant 1 : i32
    scf.for %while3A_24 = %while3A_13 to %while3A_9 step %while3A_15  : i32 {
      %dma_start3A = arith.constant 0 : i32
      %dma_start3A_25 = tpu.memref_slice %arg7[%while3A_24, %dma_start3A] : memref<36x384xi32, #tpu.memory_space<vmem>> -> memref<1x384xi32, #tpu.memory_space<vmem>>
      %dma_start3A_26 = tpu.memref_squeeze %dma_start3A_25 : memref<1x384xi32, #tpu.memory_space<vmem>> -> memref<384xi32, #tpu.memory_space<vmem>>
      %dma_start3A_27 = arith.constant 0 : i32
      %dma_start3A_28 = arith.constant 0 : i32
      %dma_start3A_29 = tpu.memref_slice %arg2[%dma_start3A_27, %dma_start3A_28] : memref<10240x64xf32, #tpu.memory_space<hbm>> -> memref<10240x64xf32, #tpu.memory_space<hbm>>
      tpu.enqueue_indirect_dma source(%dma_start3A_29 : memref<10240x64xf32, #tpu.memory_space<hbm>>) target(%arg9 : memref<384x64xf32, #tpu.memory_space<vmem>>) offsets(%dma_start3A_26 : memref<384xi32, #tpu.memory_space<vmem>>) semaphore(%arg11 : memref<!tpu.dma_semaphore, #tpu.memory_space<semaphore_mem>>)
      %dma_wait3A = arith.constant 0 : i32
      %dma_wait3A_30 = tpu.memref_slice %arg7[%while3A_24, %dma_wait3A] : memref<36x384xi32, #tpu.memory_space<vmem>> -> memref<1x384xi32, #tpu.memory_space<vmem>>
      %dma_wait3A_31 = tpu.memref_squeeze %dma_wait3A_30 : memref<1x384xi32, #tpu.memory_space<vmem>> -> memref<384xi32, #tpu.memory_space<vmem>>
      %dma_wait3A_32 = arith.constant 0 : i32
      %dma_wait3A_33 = arith.constant 0 : i32
      %dma_wait3A_34 = tpu.memref_slice %arg2[%dma_wait3A_32, %dma_wait3A_33] : memref<10240x64xf32, #tpu.memory_space<hbm>> -> memref<10240x64xf32, #tpu.memory_space<hbm>>
      tpu.wait_indirect_dma semaphore(%arg11 : memref<!tpu.dma_semaphore, #tpu.memory_space<semaphore_mem>>) src(%dma_wait3A_34 : memref<10240x64xf32, #tpu.memory_space<hbm>>) dst(%arg9 : memref<384x64xf32, #tpu.memory_space<vmem>>)
      "tpu.region"() ({
        %run_scoped3A = tpu.sem_alloc : memref<!tpu.dma_semaphore, #tpu.memory_space<semaphore_mem>>
        %dma_start3A_35 = arith.constant 0 : i32
        %dma_start3A_36 = tpu.memref_slice %arg8[%while3A_24, %dma_start3A_35] : memref<36x384xi32, #tpu.memory_space<vmem>> -> memref<1x384xi32, #tpu.memory_space<vmem>>
        %dma_start3A_37 = tpu.memref_squeeze %dma_start3A_36 : memref<1x384xi32, #tpu.memory_space<vmem>> -> memref<384xi32, #tpu.memory_space<vmem>>
        %dma_start3A_38 = arith.constant 0 : i32
        %dma_start3A_39 = arith.constant 0 : i32
        %dma_start3A_40 = tpu.memref_slice %arg10[%dma_start3A_38, %dma_start3A_39] : memref<10240x64xf32, #tpu.memory_space<vmem_shared>> -> memref<10240x64xf32, #tpu.memory_space<vmem_shared>>
        tpu.enqueue_indirect_dma source(%arg9 : memref<384x64xf32, #tpu.memory_space<vmem>>) target(%dma_start3A_40 : memref<10240x64xf32, #tpu.memory_space<vmem_shared>>) offsets(%dma_start3A_37 : memref<384xi32, #tpu.memory_space<vmem>>) semaphore(%run_scoped3A : memref<!tpu.dma_semaphore, #tpu.memory_space<semaphore_mem>>) {add = true}
        %dma_wait3A_41 = arith.constant 0 : i32
        %dma_wait3A_42 = tpu.memref_slice %arg8[%while3A_24, %dma_wait3A_41] : memref<36x384xi32, #tpu.memory_space<vmem>> -> memref<1x384xi32, #tpu.memory_space<vmem>>
        %dma_wait3A_43 = tpu.memref_squeeze %dma_wait3A_42 : memref<1x384xi32, #tpu.memory_space<vmem>> -> memref<384xi32, #tpu.memory_space<vmem>>
        %dma_wait3A_44 = arith.constant 0 : i32
        %dma_wait3A_45 = arith.constant 0 : i32
        %dma_wait3A_46 = tpu.memref_slice %arg10[%dma_wait3A_44, %dma_wait3A_45] : memref<10240x64xf32, #tpu.memory_space<vmem_shared>> -> memref<10240x64xf32, #tpu.memory_space<vmem_shared>>
        tpu.wait_indirect_dma semaphore(%run_scoped3A : memref<!tpu.dma_semaphore, #tpu.memory_space<semaphore_mem>>) src(%arg9 : memref<384x64xf32, #tpu.memory_space<vmem>>) dst(%dma_wait3A_46 : memref<10240x64xf32, #tpu.memory_space<vmem_shared>>)
        tpu.yield
      }) : () -> ()
    }
    %barrier3A_16 = arith.constant 0 : index
    tpu.barrier barrier_id(%barrier3A_16)
    %mul3A_17 = arith.constant 640 : i32
    %mul3A_18 = arith.muli %arg1, %mul3A_17 : i32
    %mul3A_19 = arith.constant 10240 : i32
    %mul3A_20 = arith.muli %arg0, %mul3A_19 : i32
    %mul3A_21 = arith.constant 640 : i32
    %mul3A_22 = arith.muli %arg1, %mul3A_21 : i32
    %add3A_23 = arith.addi %mul3A_20, %mul3A_22 : i32
    "tpu.region"() ({
      %run_scoped3A = tpu.sem_alloc : memref<!tpu.dma_semaphore, #tpu.memory_space<semaphore_mem>>
      %dma_start3A = arith.constant 0 : i32
      %dma_start3A_24 = tpu.memref_slice %arg6[%add3A_23, %dma_start3A] : memref<20480x64xf32, #tpu.memory_space<hbm>> -> memref<640x64xf32, #tpu.memory_space<hbm>>
      %dma_start3A_25 = arith.constant 0 : i32
      %dma_start3A_26 = tpu.memref_slice %arg10[%mul3A_18, %dma_start3A_25] : memref<10240x64xf32, #tpu.memory_space<vmem_shared>> -> memref<640x64xf32, #tpu.memory_space<vmem_shared>>
      tpu.enqueue_dma source(%dma_start3A_26 : memref<640x64xf32, #tpu.memory_space<vmem_shared>>) target(%dma_start3A_24 : memref<640x64xf32, #tpu.memory_space<hbm>>) target_semaphore(%run_scoped3A : memref<!tpu.dma_semaphore, #tpu.memory_space<semaphore_mem>>)
      %dma_wait3A = arith.constant 0 : i32
      %dma_wait3A_27 = tpu.memref_slice %arg6[%add3A_23, %dma_wait3A] : memref<20480x64xf32, #tpu.memory_space<hbm>> -> memref<640x64xf32, #tpu.memory_space<hbm>>
      %dma_wait3A_28 = arith.constant 0 : i32
      %dma_wait3A_29 = tpu.memref_slice %arg10[%mul3A_18, %dma_wait3A_28] : memref<10240x64xf32, #tpu.memory_space<vmem_shared>> -> memref<640x64xf32, #tpu.memory_space<vmem_shared>>
      tpu.wait_dma2 semaphore(%run_scoped3A : memref<!tpu.dma_semaphore, #tpu.memory_space<semaphore_mem>>) src(%dma_wait3A_29 : memref<640x64xf32, #tpu.memory_space<vmem_shared>>) dst(%dma_wait3A_27 : memref<640x64xf32, #tpu.memory_space<hbm>>)
      tpu.yield
    }) : () -> ()
    return
  }
}

module attributes {stable_mosaic.version = 14 : i64} {
  func.func @_tc_prep_body(%arg0: memref<10000x128xf32, #tpu.memory_space<vmem>>, %arg1: memref<128x64xf32, #tpu.memory_space<vmem>>, %arg2: memref<2x10240x16xf32, #tpu.memory_space<vmem>>, %arg3: memref<10240x64xf32, #tpu.memory_space<vmem>>) attributes {dimension_semantics = [], scalar_prefetch = 0 : i64, scratch_operands = 0 : i64, tpu.core_type = #tpu.core_type<tc>} {
    %get3A = arith.constant 0 : index
    %get3A_0 = arith.constant 0 : index
    %get3A_1 = arith.constant 0 : index
    %get3A_2 = vector.load %arg2[%get3A, %get3A_0, %get3A_1] : memref<2x10240x16xf32, #tpu.memory_space<vmem>>, vector<2x10240x16xf32>
    %slice3A = vector.extract_strided_slice %get3A_2 {offsets = [0, 0, 0], sizes = [1, 10000, 1], strides = [1, 1, 1]} : vector<2x10240x16xf32> to vector<1x10000x1xf32>
    %squeeze3A = vector.shape_cast %slice3A : vector<1x10000x1xf32> to vector<10000x1xf32>
    %slice3A_3 = vector.extract_strided_slice %get3A_2 {offsets = [1, 0, 0], sizes = [1, 10000, 1], strides = [1, 1, 1]} : vector<2x10240x16xf32> to vector<1x10000x1xf32>
    %squeeze3A_4 = vector.shape_cast %slice3A_3 : vector<1x10000x1xf32> to vector<10000x1xf32>
    %add3A = arith.addf %squeeze3A, %squeeze3A_4 : vector<10000x1xf32>
    %add3A_5 = arith.constant 1.000000e+00 : f32
    %add3A_6 = vector.broadcast %add3A_5 : f32 to vector<10000x1xf32>
    %add3A_7 = arith.addf %add3A, %add3A_6 : vector<10000x1xf32>
    %rsqrt3A = math.rsqrt %add3A_7 : vector<10000x1xf32>
    %get3A_8 = arith.constant 0 : index
    %get3A_9 = arith.constant 0 : index
    %get3A_10 = vector.load %arg0[%get3A_8, %get3A_9] : memref<10000x128xf32, #tpu.memory_space<vmem>>, vector<10000x128xf32>
    %get3A_11 = arith.constant 0 : index
    %get3A_12 = arith.constant 0 : index
    %get3A_13 = vector.load %arg1[%get3A_11, %get3A_12] : memref<128x64xf32, #tpu.memory_space<vmem>>, vector<128x64xf32>
    %dot_general3A = arith.constant dense<0.000000e+00> : vector<10000x64xf32>
    %dot_general3A_14 = tpu.matmul %get3A_10, %get3A_13, %dot_general3A {dimension_numbers = #tpu.dot_dimension_numbers<[1], [0], [0], [1], [0, 0, 1, 1], [], []>, transpose_lhs_hint = false} : vector<10000x128xf32>, vector<128x64xf32>, vector<10000x64xf32> -> vector<10000x64xf32>
    %mul3A = vector.broadcast %rsqrt3A : vector<10000x1xf32> to vector<10000x64xf32>
    %mul3A_15 = arith.mulf %dot_general3A_14, %mul3A : vector<10000x64xf32>
    %swap3A = arith.constant 0 : index
    %swap3A_16 = arith.constant 0 : index
    %swap3A_17 = vector.load %arg3[%swap3A, %swap3A_16] : memref<10240x64xf32, #tpu.memory_space<vmem>>, vector<10000x64xf32>
    tpu.vector_store %arg3[%swap3A, %swap3A_16], %mul3A_15 {strides = array<i32>} : memref<10240x64xf32, #tpu.memory_space<vmem>>, vector<10000x64xf32>,
    %broadcast_in_dim3A = arith.constant 0.000000e+00 : f32
    %broadcast_in_dim3A_18 = vector.broadcast %broadcast_in_dim3A : f32 to vector<240x64xf32>
    %swap3A_19 = arith.constant 10000 : index
    %swap3A_20 = arith.constant 0 : index
    %swap3A_21 = vector.load %arg3[%swap3A_19, %swap3A_20] : memref<10240x64xf32, #tpu.memory_space<vmem>>, vector<240x64xf32>
    tpu.vector_store %arg3[%swap3A_19, %swap3A_20], %broadcast_in_dim3A_18 {strides = array<i32>} : memref<10240x64xf32, #tpu.memory_space<vmem>>, vector<240x64xf32>,
    return
  }
}

module attributes {stable_mosaic.version = 14 : i64} {
  func.func @_tc_mid_body(%arg0: memref<2x10240x64xf32, #tpu.memory_space<vmem>>, %arg1: memref<10240x64xf32, #tpu.memory_space<vmem>>, %arg2: memref<2x10240x16xf32, #tpu.memory_space<vmem>>, %arg3: memref<1x64xf32, #tpu.memory_space<vmem>>, %arg4: memref<1x64xf32, #tpu.memory_space<vmem>>, %arg5: memref<1x64xf32, #tpu.memory_space<vmem>>, %arg6: memref<64x64xf32, #tpu.memory_space<vmem>>, %arg7: memref<10240x64xf32, #tpu.memory_space<vmem>>) attributes {dimension_semantics = [], scalar_prefetch = 0 : i64, scratch_operands = 0 : i64, tpu.core_type = #tpu.core_type<tc>} {
    %get3A = arith.constant 0 : index
    %get3A_0 = arith.constant 0 : index
    %get3A_1 = arith.constant 0 : index
    %get3A_2 = vector.load %arg0[%get3A, %get3A_0, %get3A_1] : memref<2x10240x64xf32, #tpu.memory_space<vmem>>, vector<2x10240x64xf32>
    %get3A_3 = arith.constant 0 : index
    %get3A_4 = arith.constant 0 : index
    %get3A_5 = vector.load %arg1[%get3A_3, %get3A_4] : memref<10240x64xf32, #tpu.memory_space<vmem>>, vector<10240x64xf32>
    %get3A_6 = arith.constant 0 : index
    %get3A_7 = arith.constant 0 : index
    %get3A_8 = arith.constant 0 : index
    %get3A_9 = vector.load %arg2[%get3A_6, %get3A_7, %get3A_8] : memref<2x10240x16xf32, #tpu.memory_space<vmem>>, vector<2x10240x16xf32>
    %get3A_10 = arith.constant 0 : index
    %get3A_11 = arith.constant 0 : index
    %get3A_12 = vector.load %arg3[%get3A_10, %get3A_11] : memref<1x64xf32, #tpu.memory_space<vmem>>, vector<1x64xf32>
    %get3A_13 = arith.constant 0 : index
    %get3A_14 = arith.constant 0 : index
    %get3A_15 = vector.load %arg4[%get3A_13, %get3A_14] : memref<1x64xf32, #tpu.memory_space<vmem>>, vector<1x64xf32>
    %get3A_16 = arith.constant 0 : index
    %get3A_17 = arith.constant 0 : index
    %get3A_18 = vector.load %arg5[%get3A_16, %get3A_17] : memref<1x64xf32, #tpu.memory_space<vmem>>, vector<1x64xf32>
    %slice3A = vector.extract_strided_slice %get3A_9 {offsets = [0, 0, 0], sizes = [1, 10000, 1], strides = [1, 1, 1]} : vector<2x10240x16xf32> to vector<1x10000x1xf32>
    %squeeze3A = vector.shape_cast %slice3A : vector<1x10000x1xf32> to vector<10000x1xf32>
    %slice3A_19 = vector.extract_strided_slice %get3A_9 {offsets = [1, 0, 0], sizes = [1, 10000, 1], strides = [1, 1, 1]} : vector<2x10240x16xf32> to vector<1x10000x1xf32>
    %squeeze3A_20 = vector.shape_cast %slice3A_19 : vector<1x10000x1xf32> to vector<10000x1xf32>
    %add3A = arith.addf %squeeze3A, %squeeze3A_20 : vector<10000x1xf32>
    %add3A_21 = arith.constant 1.000000e+00 : f32
    %add3A_22 = vector.broadcast %add3A_21 : f32 to vector<10000x1xf32>
    %add3A_23 = arith.addf %add3A, %add3A_22 : vector<10000x1xf32>
    %rsqrt3A = math.rsqrt %add3A_23 : vector<10000x1xf32>
    %slice3A_24 = vector.extract_strided_slice %get3A_2 {offsets = [0, 0, 0], sizes = [1, 10000, 64], strides = [1, 1, 1]} : vector<2x10240x64xf32> to vector<1x10000x64xf32>
    %squeeze3A_25 = vector.shape_cast %slice3A_24 : vector<1x10000x64xf32> to vector<10000x64xf32>
    %slice3A_26 = vector.extract_strided_slice %get3A_2 {offsets = [1, 0, 0], sizes = [1, 10000, 64], strides = [1, 1, 1]} : vector<2x10240x64xf32> to vector<1x10000x64xf32>
    %squeeze3A_27 = vector.shape_cast %slice3A_26 : vector<1x10000x64xf32> to vector<10000x64xf32>
    %add3A_28 = arith.addf %squeeze3A_25, %squeeze3A_27 : vector<10000x64xf32>
    %slice3A_29 = vector.extract_strided_slice %get3A_5 {offsets = [0, 0], sizes = [10000, 64], strides = [1, 1]} : vector<10240x64xf32> to vector<10000x64xf32>
    %add3A_30 = arith.addf %add3A_28, %slice3A_29 : vector<10000x64xf32>
    %mul3A = vector.broadcast %rsqrt3A : vector<10000x1xf32> to vector<10000x64xf32>
    %mul3A_31 = arith.mulf %add3A_30, %mul3A : vector<10000x64xf32>
    %add3A_32 = vector.broadcast %get3A_12 : vector<1x64xf32> to vector<10000x64xf32>
    %add3A_33 = arith.addf %mul3A_31, %add3A_32 : vector<10000x64xf32>
    %reduce_sum3A = arith.constant dense<0.000000e+00> : vector<64xf32>
    %reduce_sum3A_34 = vector.multi_reduction <add>, %add3A_33, %reduce_sum3A [0] : vector<10000x64xf32> to vector<64xf32>
    %broadcast_in_dim3A = vector.shape_cast %reduce_sum3A_34 : vector<64xf32> to vector<1x64xf32>
    %div3A = arith.constant 1.000000e+04 : f32
    %div3A_35 = vector.broadcast %div3A : f32 to vector<1x64xf32>
    %div3A_36 = arith.divf %broadcast_in_dim3A, %div3A_35 : vector<1x64xf32>
    %sub3A = vector.broadcast %div3A_36 : vector<1x64xf32> to vector<10000x64xf32>
    %sub3A_37 = arith.subf %add3A_33, %sub3A : vector<10000x64xf32>
    %integer_pow3A = arith.mulf %sub3A_37, %sub3A_37 : vector<10000x64xf32>
    %reduce_sum3A_38 = arith.constant dense<0.000000e+00> : vector<64xf32>
    %reduce_sum3A_39 = vector.multi_reduction <add>, %integer_pow3A, %reduce_sum3A_38 [0] : vector<10000x64xf32> to vector<64xf32>
    %broadcast_in_dim3A_40 = vector.shape_cast %reduce_sum3A_39 : vector<64xf32> to vector<1x64xf32>
    %div3A_41 = arith.constant 1.000000e+04 : f32
    %div3A_42 = vector.broadcast %div3A_41 : f32 to vector<1x64xf32>
    %div3A_43 = arith.divf %broadcast_in_dim3A_40, %div3A_42 : vector<1x64xf32>
    %sub3A_44 = vector.broadcast %div3A_36 : vector<1x64xf32> to vector<10000x64xf32>
    %sub3A_45 = arith.subf %add3A_33, %sub3A_44 : vector<10000x64xf32>
    %add3A_46 = arith.constant 9.99999974E-6 : f32
    %add3A_47 = vector.broadcast %add3A_46 : f32 to vector<1x64xf32>
    %add3A_48 = arith.addf %div3A_43, %add3A_47 : vector<1x64xf32>
    %rsqrt3A_49 = math.rsqrt %add3A_48 : vector<1x64xf32>
    %mul3A_50 = vector.broadcast %rsqrt3A_49 : vector<1x64xf32> to vector<10000x64xf32>
    %mul3A_51 = arith.mulf %sub3A_45, %mul3A_50 : vector<10000x64xf32>
    %mul3A_52 = vector.broadcast %get3A_15 : vector<1x64xf32> to vector<10000x64xf32>
    %mul3A_53 = arith.mulf %mul3A_51, %mul3A_52 : vector<10000x64xf32>
    %add3A_54 = vector.broadcast %get3A_18 : vector<1x64xf32> to vector<10000x64xf32>
    %add3A_55 = arith.addf %mul3A_53, %add3A_54 : vector<10000x64xf32>
    %max3A = arith.constant 0.000000e+00 : f32
    %max3A_56 = vector.broadcast %max3A : f32 to vector<10000x64xf32>
    %max3A_57 = arith.maximumf %add3A_55, %max3A_56 : vector<10000x64xf32>
    %get3A_58 = arith.constant 0 : index
    %get3A_59 = arith.constant 0 : index
    %get3A_60 = arith.constant 0 : index
    %get3A_61 = vector.load %arg2[%get3A_58, %get3A_59, %get3A_60] : memref<2x10240x16xf32, #tpu.memory_space<vmem>>, vector<2x10240x16xf32>
    %slice3A_62 = vector.extract_strided_slice %get3A_61 {offsets = [0, 0, 0], sizes = [1, 10000, 1], strides = [1, 1, 1]} : vector<2x10240x16xf32> to vector<1x10000x1xf32>
    %squeeze3A_63 = vector.shape_cast %slice3A_62 : vector<1x10000x1xf32> to vector<10000x1xf32>
    %slice3A_64 = vector.extract_strided_slice %get3A_61 {offsets = [1, 0, 0], sizes = [1, 10000, 1], strides = [1, 1, 1]} : vector<2x10240x16xf32> to vector<1x10000x1xf32>
    %squeeze3A_65 = vector.shape_cast %slice3A_64 : vector<1x10000x1xf32> to vector<10000x1xf32>
    %add3A_66 = arith.addf %squeeze3A_63, %squeeze3A_65 : vector<10000x1xf32>
    %add3A_67 = arith.constant 1.000000e+00 : f32
    %add3A_68 = vector.broadcast %add3A_67 : f32 to vector<10000x1xf32>
    %add3A_69 = arith.addf %add3A_66, %add3A_68 : vector<10000x1xf32>
    %rsqrt3A_70 = math.rsqrt %add3A_69 : vector<10000x1xf32>
    %get3A_71 = arith.constant 0 : index
    %get3A_72 = arith.constant 0 : index
    %get3A_73 = vector.load %arg6[%get3A_71, %get3A_72] : memref<64x64xf32, #tpu.memory_space<vmem>>, vector<64x64xf32>
    %dot_general3A = arith.constant dense<0.000000e+00> : vector<10000x64xf32>
    %dot_general3A_74 = tpu.matmul %max3A_57, %get3A_73, %dot_general3A {dimension_numbers = #tpu.dot_dimension_numbers<[1], [0], [0], [1], [0, 0, 1, 1], [], []>, transpose_lhs_hint = false} : vector<10000x64xf32>, vector<64x64xf32>, vector<10000x64xf32> -> vector<10000x64xf32>
    %mul3A_75 = vector.broadcast %rsqrt3A_70 : vector<10000x1xf32> to vector<10000x64xf32>
    %mul3A_76 = arith.mulf %dot_general3A_74, %mul3A_75 : vector<10000x64xf32>
    %swap3A = arith.constant 0 : index
    %swap3A_77 = arith.constant 0 : index
    %swap3A_78 = vector.load %arg7[%swap3A, %swap3A_77] : memref<10240x64xf32, #tpu.memory_space<vmem>>, vector<10000x64xf32>
    tpu.vector_store %arg7[%swap3A, %swap3A_77], %mul3A_76 {strides = array<i32>} : memref<10240x64xf32, #tpu.memory_space<vmem>>, vector<10000x64xf32>,
    %broadcast_in_dim3A_79 = arith.constant 0.000000e+00 : f32
    %broadcast_in_dim3A_80 = vector.broadcast %broadcast_in_dim3A_79 : f32 to vector<240x64xf32>
    %swap3A_81 = arith.constant 10000 : index
    %swap3A_82 = arith.constant 0 : index
    %swap3A_83 = vector.load %arg7[%swap3A_81, %swap3A_82] : memref<10240x64xf32, #tpu.memory_space<vmem>>, vector<240x64xf32>
    tpu.vector_store %arg7[%swap3A_81, %swap3A_82], %broadcast_in_dim3A_80 {strides = array<i32>} : memref<10240x64xf32, #tpu.memory_space<vmem>>, vector<240x64xf32>,
    return
  }
}

module attributes {stable_mosaic.version = 14 : i64} {
  func.func @_tc_head_body(%arg0: memref<2x10240x64xf32, #tpu.memory_space<vmem>>, %arg1: memref<10240x64xf32, #tpu.memory_space<vmem>>, %arg2: memref<2x10240x16xf32, #tpu.memory_space<vmem>>, %arg3: memref<1x64xf32, #tpu.memory_space<vmem>>, %arg4: memref<1x64xf32, #tpu.memory_space<vmem>>, %arg5: memref<1x64xf32, #tpu.memory_space<vmem>>, %arg6: memref<10000x1xi32, #tpu.memory_space<vmem>>, %arg7: memref<64x32xf32, #tpu.memory_space<vmem>>, %arg8: memref<1x32xf32, #tpu.memory_space<vmem>>, %arg9: memref<32x2xf32, #tpu.memory_space<vmem>>, %arg10: memref<1x2xf32, #tpu.memory_space<vmem>>, %arg11: memref<64x2xf32, #tpu.memory_space<vmem>>) attributes {dimension_semantics = [], scalar_prefetch = 0 : i64, scratch_operands = 0 : i64, tpu.core_type = #tpu.core_type<tc>} {
    %get3A = arith.constant 0 : index
    %get3A_0 = arith.constant 0 : index
    %get3A_1 = arith.constant 0 : index
    %get3A_2 = vector.load %arg0[%get3A, %get3A_0, %get3A_1] : memref<2x10240x64xf32, #tpu.memory_space<vmem>>, vector<2x10240x64xf32>
    %get3A_3 = arith.constant 0 : index
    %get3A_4 = arith.constant 0 : index
    %get3A_5 = vector.load %arg1[%get3A_3, %get3A_4] : memref<10240x64xf32, #tpu.memory_space<vmem>>, vector<10240x64xf32>
    %get3A_6 = arith.constant 0 : index
    %get3A_7 = arith.constant 0 : index
    %get3A_8 = arith.constant 0 : index
    %get3A_9 = vector.load %arg2[%get3A_6, %get3A_7, %get3A_8] : memref<2x10240x16xf32, #tpu.memory_space<vmem>>, vector<2x10240x16xf32>
    %get3A_10 = arith.constant 0 : index
    %get3A_11 = arith.constant 0 : index
    %get3A_12 = vector.load %arg3[%get3A_10, %get3A_11] : memref<1x64xf32, #tpu.memory_space<vmem>>, vector<1x64xf32>
    %get3A_13 = arith.constant 0 : index
    %get3A_14 = arith.constant 0 : index
    %get3A_15 = vector.load %arg4[%get3A_13, %get3A_14] : memref<1x64xf32, #tpu.memory_space<vmem>>, vector<1x64xf32>
    %get3A_16 = arith.constant 0 : index
    %get3A_17 = arith.constant 0 : index
    %get3A_18 = vector.load %arg5[%get3A_16, %get3A_17] : memref<1x64xf32, #tpu.memory_space<vmem>>, vector<1x64xf32>
    %slice3A = vector.extract_strided_slice %get3A_9 {offsets = [0, 0, 0], sizes = [1, 10000, 1], strides = [1, 1, 1]} : vector<2x10240x16xf32> to vector<1x10000x1xf32>
    %squeeze3A = vector.shape_cast %slice3A : vector<1x10000x1xf32> to vector<10000x1xf32>
    %slice3A_19 = vector.extract_strided_slice %get3A_9 {offsets = [1, 0, 0], sizes = [1, 10000, 1], strides = [1, 1, 1]} : vector<2x10240x16xf32> to vector<1x10000x1xf32>
    %squeeze3A_20 = vector.shape_cast %slice3A_19 : vector<1x10000x1xf32> to vector<10000x1xf32>
    %add3A = arith.addf %squeeze3A, %squeeze3A_20 : vector<10000x1xf32>
    %add3A_21 = arith.constant 1.000000e+00 : f32
    %add3A_22 = vector.broadcast %add3A_21 : f32 to vector<10000x1xf32>
    %add3A_23 = arith.addf %add3A, %add3A_22 : vector<10000x1xf32>
    %rsqrt3A = math.rsqrt %add3A_23 : vector<10000x1xf32>
    %slice3A_24 = vector.extract_strided_slice %get3A_2 {offsets = [0, 0, 0], sizes = [1, 10000, 64], strides = [1, 1, 1]} : vector<2x10240x64xf32> to vector<1x10000x64xf32>
    %squeeze3A_25 = vector.shape_cast %slice3A_24 : vector<1x10000x64xf32> to vector<10000x64xf32>
    %slice3A_26 = vector.extract_strided_slice %get3A_2 {offsets = [1, 0, 0], sizes = [1, 10000, 64], strides = [1, 1, 1]} : vector<2x10240x64xf32> to vector<1x10000x64xf32>
    %squeeze3A_27 = vector.shape_cast %slice3A_26 : vector<1x10000x64xf32> to vector<10000x64xf32>
    %add3A_28 = arith.addf %squeeze3A_25, %squeeze3A_27 : vector<10000x64xf32>
    %slice3A_29 = vector.extract_strided_slice %get3A_5 {offsets = [0, 0], sizes = [10000, 64], strides = [1, 1]} : vector<10240x64xf32> to vector<10000x64xf32>
    %add3A_30 = arith.addf %add3A_28, %slice3A_29 : vector<10000x64xf32>
    %mul3A = vector.broadcast %rsqrt3A : vector<10000x1xf32> to vector<10000x64xf32>
    %mul3A_31 = arith.mulf %add3A_30, %mul3A : vector<10000x64xf32>
    %add3A_32 = vector.broadcast %get3A_12 : vector<1x64xf32> to vector<10000x64xf32>
    %add3A_33 = arith.addf %mul3A_31, %add3A_32 : vector<10000x64xf32>
    %reduce_sum3A = arith.constant dense<0.000000e+00> : vector<64xf32>
    %reduce_sum3A_34 = vector.multi_reduction <add>, %add3A_33, %reduce_sum3A [0] : vector<10000x64xf32> to vector<64xf32>
    %broadcast_in_dim3A = vector.shape_cast %reduce_sum3A_34 : vector<64xf32> to vector<1x64xf32>
    %div3A = arith.constant 1.000000e+04 : f32
    %div3A_35 = vector.broadcast %div3A : f32 to vector<1x64xf32>
    %div3A_36 = arith.divf %broadcast_in_dim3A, %div3A_35 : vector<1x64xf32>
    %sub3A = vector.broadcast %div3A_36 : vector<1x64xf32> to vector<10000x64xf32>
    %sub3A_37 = arith.subf %add3A_33, %sub3A : vector<10000x64xf32>
    %integer_pow3A = arith.mulf %sub3A_37, %sub3A_37 : vector<10000x64xf32>
    %reduce_sum3A_38 = arith.constant dense<0.000000e+00> : vector<64xf32>
    %reduce_sum3A_39 = vector.multi_reduction <add>, %integer_pow3A, %reduce_sum3A_38 [0] : vector<10000x64xf32> to vector<64xf32>
    %broadcast_in_dim3A_40 = vector.shape_cast %reduce_sum3A_39 : vector<64xf32> to vector<1x64xf32>
    %div3A_41 = arith.constant 1.000000e+04 : f32
    %div3A_42 = vector.broadcast %div3A_41 : f32 to vector<1x64xf32>
    %div3A_43 = arith.divf %broadcast_in_dim3A_40, %div3A_42 : vector<1x64xf32>
    %sub3A_44 = vector.broadcast %div3A_36 : vector<1x64xf32> to vector<10000x64xf32>
    %sub3A_45 = arith.subf %add3A_33, %sub3A_44 : vector<10000x64xf32>
    %add3A_46 = arith.constant 9.99999974E-6 : f32
    %add3A_47 = vector.broadcast %add3A_46 : f32 to vector<1x64xf32>
    %add3A_48 = arith.addf %div3A_43, %add3A_47 : vector<1x64xf32>
    %rsqrt3A_49 = math.rsqrt %add3A_48 : vector<1x64xf32>
    %mul3A_50 = vector.broadcast %rsqrt3A_49 : vector<1x64xf32> to vector<10000x64xf32>
    %mul3A_51 = arith.mulf %sub3A_45, %mul3A_50 : vector<10000x64xf32>
    %mul3A_52 = vector.broadcast %get3A_15 : vector<1x64xf32> to vector<10000x64xf32>
    %mul3A_53 = arith.mulf %mul3A_51, %mul3A_52 : vector<10000x64xf32>
    %add3A_54 = vector.broadcast %get3A_18 : vector<1x64xf32> to vector<10000x64xf32>
    %add3A_55 = arith.addf %mul3A_53, %add3A_54 : vector<10000x64xf32>
    %max3A = arith.constant 0.000000e+00 : f32
    %max3A_56 = vector.broadcast %max3A : f32 to vector<10000x64xf32>
    %max3A_57 = arith.maximumf %add3A_55, %max3A_56 : vector<10000x64xf32>
    %iota3A = tpu.iota {dimensions = array<i32: 1>} : vector<10000x64xi32>
    %get3A_58 = arith.constant 0 : index
    %get3A_59 = arith.constant 0 : index
    %get3A_60 = vector.load %arg6[%get3A_58, %get3A_59] : memref<10000x1xi32, #tpu.memory_space<vmem>>, vector<10000x1xi32>
    %eq3A = vector.broadcast %get3A_60 : vector<10000x1xi32> to vector<10000x64xi32>
    %eq3A_61 = arith.cmpi eq, %eq3A, %iota3A : vector<10000x64xi32>
    %convert_element_type3A = arith.extui %eq3A_61 : vector<10000x64xi1> to vector<10000x64xi32>
    %convert_element_type3A_62 = arith.sitofp %convert_element_type3A : vector<10000x64xi32> to vector<10000x64xf32>
    %dot_general3A = arith.constant dense<0.000000e+00> : vector<64x64xf32>
    %dot_general3A_63 = tpu.matmul %convert_element_type3A_62, %max3A_57, %dot_general3A {dimension_numbers = #tpu.dot_dimension_numbers<[0], [0], [1], [1], [0, 1, 1, 1], [], []>, transpose_lhs_hint = false} : vector<10000x64xf32>, vector<10000x64xf32>, vector<64x64xf32> -> vector<64x64xf32>
    %broadcast_in_dim3A_64 = arith.constant 1.000000e+00 : f32
    %broadcast_in_dim3A_65 = vector.broadcast %broadcast_in_dim3A_64 : f32 to vector<10000x1xf32>
    %dot_general3A_66 = arith.constant dense<0.000000e+00> : vector<64x1xf32>
    %dot_general3A_67 = tpu.matmul %convert_element_type3A_62, %broadcast_in_dim3A_65, %dot_general3A_66 {dimension_numbers = #tpu.dot_dimension_numbers<[0], [0], [1], [1], [0, 1, 1, 1], [], []>, transpose_lhs_hint = false} : vector<10000x64xf32>, vector<10000x1xf32>, vector<64x1xf32> -> vector<64x1xf32>
    %max3A_68 = arith.constant 1.000000e+00 : f32
    %max3A_69 = vector.broadcast %max3A_68 : f32 to vector<64x1xf32>
    %max3A_70 = arith.maximumf %dot_general3A_67, %max3A_69 : vector<64x1xf32>
    %div3A_71 = vector.broadcast %max3A_70 : vector<64x1xf32> to vector<64x64xf32>
    %div3A_72 = arith.divf %dot_general3A_63, %div3A_71 : vector<64x64xf32>
    %get3A_73 = arith.constant 0 : index
    %get3A_74 = arith.constant 0 : index
    %get3A_75 = vector.load %arg7[%get3A_73, %get3A_74] : memref<64x32xf32, #tpu.memory_space<vmem>>, vector<64x32xf32>
    %dot_general3A_76 = arith.constant dense<0.000000e+00> : vector<64x32xf32>
    %dot_general3A_77 = tpu.matmul %div3A_72, %get3A_75, %dot_general3A_76 {dimension_numbers = #tpu.dot_dimension_numbers<[1], [0], [0], [1], [0, 0, 1, 1], [], []>, transpose_lhs_hint = false} : vector<64x64xf32>, vector<64x32xf32>, vector<64x32xf32> -> vector<64x32xf32>
    %get3A_78 = arith.constant 0 : index
    %get3A_79 = arith.constant 0 : index
    %get3A_80 = vector.load %arg8[%get3A_78, %get3A_79] : memref<1x32xf32, #tpu.memory_space<vmem>>, vector<1x32xf32>
    %add3A_81 = vector.broadcast %get3A_80 : vector<1x32xf32> to vector<64x32xf32>
    %add3A_82 = arith.addf %dot_general3A_77, %add3A_81 : vector<64x32xf32>
    %max3A_83 = arith.constant 0.000000e+00 : f32
    %max3A_84 = vector.broadcast %max3A_83 : f32 to vector<64x32xf32>
    %max3A_85 = arith.maximumf %add3A_82, %max3A_84 : vector<64x32xf32>
    %get3A_86 = arith.constant 0 : index
    %get3A_87 = arith.constant 0 : index
    %get3A_88 = vector.load %arg9[%get3A_86, %get3A_87] : memref<32x2xf32, #tpu.memory_space<vmem>>, vector<32x2xf32>
    %dot_general3A_89 = arith.constant dense<0.000000e+00> : vector<64x2xf32>
    %dot_general3A_90 = tpu.matmul %max3A_85, %get3A_88, %dot_general3A_89 {dimension_numbers = #tpu.dot_dimension_numbers<[1], [0], [0], [1], [0, 0, 1, 1], [], []>, transpose_lhs_hint = false} : vector<64x32xf32>, vector<32x2xf32>, vector<64x2xf32> -> vector<64x2xf32>
    %get3A_91 = arith.constant 0 : index
    %get3A_92 = arith.constant 0 : index
    %get3A_93 = vector.load %arg10[%get3A_91, %get3A_92] : memref<1x2xf32, #tpu.memory_space<vmem>>, vector<1x2xf32>
    %add3A_94 = vector.broadcast %get3A_93 : vector<1x2xf32> to vector<64x2xf32>
    %add3A_95 = arith.addf %dot_general3A_90, %add3A_94 : vector<64x2xf32>
    %neg3A = arith.constant 0.000000e+00 : f32
    %neg3A_96 = vector.broadcast %neg3A : f32 to vector<64x2xf32>
    %neg3A_97 = arith.subf %neg3A_96, %add3A_95 : vector<64x2xf32>
    %exp3A = math.exp %neg3A_97 : vector<64x2xf32>
    %add3A_98 = arith.constant 1.000000e+00 : f32
    %add3A_99 = vector.broadcast %add3A_98 : f32 to vector<64x2xf32>
    %add3A_100 = arith.addf %add3A_99, %exp3A : vector<64x2xf32>
    %div3A_101 = arith.constant 1.000000e+00 : f32
    %div3A_102 = vector.broadcast %div3A_101 : f32 to vector<64x2xf32>
    %div3A_103 = arith.divf %div3A_102, %add3A_100 : vector<64x2xf32>
    %swap3A = arith.constant 0 : index
    %swap3A_104 = arith.constant 0 : index
    %swap3A_105 = vector.load %arg11[%swap3A, %swap3A_104] : memref<64x2xf32, #tpu.memory_space<vmem>>, vector<64x2xf32>
    tpu.vector_store %arg11[%swap3A, %swap3A_104], %div3A_103 {strides = array<i32>} : memref<64x2xf32, #tpu.memory_space<vmem>>, vector<64x2xf32>,
    return
  }
}

</mosaic_0001>

<sc_bundles>
// kernel: kernel.10.cloned.1.call-start
scs
__scs_entry_jumppad:
0x0: {  	(pc) =	sbr.rel $0x88, $3  }
0x1: {  	(tag) =	ssettag $0x0;
	lr =	simm.s32 $0x1  }
0x2: {  	[smem:$0x3F8E] =	sst lr;
	_ =	strace $0xD0000000  }
0x3: {  	_ = 	snop  }
0x4: {  	_ = 	snop  }
0x5: {  	_ = 	snop  }
0x6: {  	_ = 	snop  }
0x7: {  	_ = 	snop  }
__scs_overlays_trampoline_lowered:
0x8: {  	[smem:$0x3F9D] =	sst s0  }
0x9: {  	[smem:$0x3F9E] =	sst s1  }
0xa: {  	[smem:$0x3F9F] =	sst s2  }
0xb: {  	[smem:$0x3FA0] =	sst s3  }
0xc: {  	[smem:$0x3FA1] =	sst s4  }
0xd: {  	[smem:$0x3FA2] =	sst s5  }
0xe: {  	[smem:$0x3FA3] =	sst s6  }
0xf: {  	[smem:$0x3FA4] =	sst s7  }
0x10: {  	[smem:$0x3FA5] =	sst s8  }
0x11: {  	[smem:$0x3FA6] =	sst s9;
	s0 =	simm.s32 @!p0 $0x0  }
0x12: {  	s1 =	sld [smem:$0x3F8C];
	s0 =	simm.s32 @p0 $0x1  }
0x13: {  	[smem:$0x3FA7] =	sst s0;
	s0 =	simm.s32 @!p1 $0x0  }
0x14: {  	s2 =	sld [smem:$0x3F8B];
	s0 =	simm.s32 @p1 $0x1  }
0x15: {  	[smem:$0x3FA8] =	sst s0;
	s0 =	simm.s32 @!p2 $0x0  }
0x16: {  	s3 =	sld [smem:$0x3FDB];
	s0 =	simm.s32 @p2 $0x1  }
0x17: {  	s4 =	simm.s32 $0x1BF5;
	[smem:$0x3FAA] =	sst s0  }
0x18: {  	s0 =	sld [smem:$0x3F8D];
	_ =	swait.ge [sflag:s4], $0x0  }
0x19: {  	s7 =	sld [smem:$0x3F8E]  }
0x1a: {  	s8 =	sadd.s32 $0xFFFFE003, lr  }
0x1b: {  	s9 =	sadd.s32 $0xFFFFFEF7, lr;
	s5 =	simm.s32 $0xFFFFFFFF;
	p2 =	slt.u32 s8, $0xFFFFF086  }
0x1c: {  	p1 =	slt.u32 s9, $0xF7A;
	s5 =	simm.s32 @!p2 $0x0  }
0x1d: {  	s5 =	simm.s32 @p1 $0x1;
	p0 =	seq.s32 s7, s2  }
0x1e: {  	s7 =	smul.u32 @!p0 $0xF7A, s2;
	p2 =	seq.s32 @!p0 s5, $0x0  }
0x1f: {  	s9 =	smul.u32 $0xF7A, s1;
	s8 =	simm.s32 @!p0 $0x1BF5;
	p2 =	por !p2, p0  }
0x20: {  	[sflag:s8] =	ssyncset.s32 @!p0 $0xFFFFF086;
	s6 =	sadd.s32 @!p0 s3, s7;
	s7 =	simm.s32 @!p0 $0x108  }
0x21: {  	s3 =	sadd.s32 s3, s9;
	s6 =	sadd.s32 @!p0 $0x88, s6;
	s7 =	simm.s32 @p2 $0x1082  }
0x22: {  	[simem:s7], [sflag:s8] =	dma.local @!p0 [hbm:s6], $0xF7A  }
0x23: {  	s9 =	sor.u32 $0xD0000000, s2;
	s6 =	simm.s32 $0x108;
	_ =	swait.ge @!p0 [sflag:s8], $0x0  }
0x24: {  	s3 =	sadd.s32 $0x88, s3;
	s6 =	simm.s32 @!p1 $0x1082;
	[sflag:s4] =	ssyncset.s32 $0xFFFFF086  }
0x25: {  	[simem:s6], [sflag:s4] =	dma.local [hbm:s3], $0xF7A  }
0x26: {  	[smem:$0x3F8E] =	sst s1;
	(tag) =	ssettag s2;
	_ =	strace s9  }
0x27: {  	s1 =	sld [smem:$0x3F9E]  }
0x28: {  	s2 =	sld [smem:$0x3F9F]  }
0x29: {  	s4 =	sld [smem:$0x3FA1]  }
0x2a: {  	p0 =	seq.s32 s5, $0x0;
	s5 =	sld [smem:$0x3FA2]  }
0x2b: {  	s6 =	sld [smem:$0x3FA3]  }
0x2c: {  	s7 =	sld [smem:$0x3FA4]  }
0x2d: {  	s3 =	simm.s32 $0x108;
	s8 =	sld [smem:$0x3FA5]  }
0x2e: {  	s3 =	simm.s32 @!p0 $0x1082;
	s9 =	sld [smem:$0x3FA6]  }
0x2f: {  	lr =	sadd.s32 s0, s3;
	s0 =	sld [smem:$0x3F9D]  }
0x30: {  	s3 =	sld [smem:$0x3FA0]  }
0x31: {  	[smem:$0x3FA9] =	sst s10  }
0x32: {  	s10 =	sld [smem:$0x3FA7];
	_ =	sdelay $0x3  }
0x33: {  	p0 =	seq.s32 s10, $0x1;
	s10 =	sld [smem:$0x3FA9];
	_ =	sdelay $0x3  }
0x34: {  	[smem:$0x3FA9] =	sst s10  }
0x35: {  	s10 =	sld [smem:$0x3FA8];
	_ =	sdelay $0x3  }
0x36: {  	p1 =	seq.s32 s10, $0x1;
	s10 =	sld [smem:$0x3FA9];
	_ =	sdelay $0x3  }
0x37: {  	[smem:$0x3FA9] =	sst s10  }
0x38: {  	s10 =	sld [smem:$0x3FAA]  }
0x39: {  	_ = 	snop;
	(pc) =	sbr.ind lr, $3  }
0x3a: {  	_ = 	snop  }
0x3b: {  	_ = 	snop  }
0x3c: {  	p2 =	seq.s32 s10, $0x1;
	s10 =	sld [smem:$0x3FA9]  }
0x3d: {  	_ =	shalt  }
0x3e: {  	_ =	shalt  }
0x3f: {  	_ =	shalt  }
0x40: {  	_ =	shalt  }
0x41: {  	_ =	shalt  }
0x42: {  	_ =	shalt  }
0x43: {  	_ =	shalt  }
0x44: {  	_ =	shalt  }
0x45: {  	_ =	shalt  }
0x46: {  	_ =	shalt  }
0x47: {  	_ =	shalt  }
0x48: {  	_ =	shalt  }
0x49: {  	_ =	shalt  }
0x4a: {  	_ =	shalt  }
0x4b: {  	_ =	shalt  }
0x4c: {  	_ =	shalt  }
0x4d: {  	_ =	shalt  }
0x4e: {  	_ =	shalt  }
0x4f: {  	_ =	shalt  }
0x50: {  	_ =	shalt  }
0x51: {  	_ =	shalt  }
0x52: {  	_ =	shalt  }
0x53: {  	_ =	shalt  }
0x54: {  	_ =	shalt  }
0x55: {  	_ =	shalt  }
0x56: {  	_ =	shalt  }
0x57: {  	_ =	shalt  }
0x58: {  	_ =	shalt  }
0x59: {  	_ =	shalt  }
0x5a: {  	_ =	shalt  }
0x5b: {  	_ =	shalt  }
0x5c: {  	_ =	shalt  }
0x5d: {  	_ =	shalt  }
0x5e: {  	_ =	shalt  }
0x5f: {  	_ =	shalt  }
0x60: {  	_ =	shalt  }
0x61: {  	_ =	shalt  }
0x62: {  	_ =	shalt  }
0x63: {  	_ =	shalt  }
0x64: {  	_ =	shalt  }
0x65: {  	_ =	shalt  }
0x66: {  	_ =	shalt  }
0x67: {  	_ =	shalt  }
0x68: {  	_ =	shalt  }
0x69: {  	_ =	shalt  }
0x6a: {  	_ =	shalt  }
0x6b: {  	_ =	shalt  }
0x6c: {  	_ =	shalt  }
0x6d: {  	_ =	shalt  }
0x6e: {  	_ =	shalt  }
0x6f: {  	_ =	shalt  }
0x70: {  	_ =	shalt  }
0x71: {  	_ =	shalt  }
0x72: {  	_ =	shalt  }
0x73: {  	_ =	shalt  }
0x74: {  	_ =	shalt  }
0x75: {  	_ =	shalt  }
0x76: {  	_ =	shalt  }
0x77: {  	_ =	shalt  }
0x78: {  	_ =	shalt  }
0x79: {  	_ =	shalt  }
0x7a: {  	_ =	shalt  }
0x7b: {  	_ =	shalt  }
0x7c: {  	_ =	shalt  }
0x7d: {  	_ =	shalt  }
0x7e: {  	_ =	shalt  }
0x7f: {  	_ =	shalt  }
0x80: {  	_ =	shalt  }
0x81: {  	_ =	shalt  }
0x82: {  	_ =	shalt  }
0x83: {  	_ =	shalt  }
0x84: {  	_ =	shalt  }
0x85: {  	_ =	shalt  }
0x86: {  	_ =	shalt  }
0x87: {  	_ =	shalt  }
.Lfunc_end0:
.L_simem_size_0:
called_computation_lowered:
.L_overlay_start_0:
0x88: {  	s2 =	sld [smem:$0x3FD9]  }
0x89: {  	s3 =	sld [smem:$0x3FFE];
	_ =	sdelay $0x1  }
0x8a: {  	s1 =	srdreg.scid  }
0x8b: {  	s0 =	sand.u32 $0x1, s1  }
0x8c: {  	s16 =	sshll.u32 s0, $0xA;
	s2 =	sadd.s32 s3, s2  }
0x8d: {  	s2 =	sadd.s32 s2, s16  }
0x8e: {  	[smem:$0x3FB5] =	sst s2  }
0x8f: {  	_ = 	snop  }
0x90: {  	(tm) =	ssettm $0x1  }
0x91: {  	s17 =	sld [smem:$0x3FFB];
	_ =	sdelay $0x3  }
0x92: {  	_ =	strace s17  }
0x93: {  	s2 =	sld [smem:$0x3FFC];
	_ =	sdelay $0x3  }
0x94: {  	_ =	strace s2  }
0x95: {  	s2 =	sld [smem:$0x3FFD];
	_ =	sdelay $0x3  }
0x96: {  	_ =	strace s2  }
0x97: {  	_ =	strace $0x8FFFFFFF  }
0x98: {  	s18 =	sld [smem:$0x3FDB];
	_ =	sdelay $0x1  }
0x99: {  	s19 =	simm.s32 $_scs_section_size  }
0x9a: {  	s4 =	simm.s32 $_size__tile_overlayer_lowered;
	s5 =	simm.s32 $_tile_overlayer_lowered  }
0x9b: {  	s22 =	simm.s32 $0x1BFF;
	s21 =	sshll.u32 s5, $0x1;
	s2 =	sadd.s32 s19, s18  }
0x9c: {  	s6 =	simm.s32 $0x0;
	s20 =	sshll.u32 s4, $0x1;
	s4 =	sadd.s32 s21, s2  }
0x9d: {  	[timem:s6], [sflag:s22] =	dma.local [hbm:s4], s20  }
0x9e: {  	_ =	swait.ge [sflag:s22], s20  }
0x9f: {  	s3 =	ssub.s32 $0x0, s20;
	[sflag:s22] =	ssyncset.done $0x0  }
0xa0: {  	[sflag:s22] =	ssyncadd.s32 s3;
	_ =	sdelay $0x1  }
0xa1: {  	s23 =	simm.s32 $0x1B8B  }
0xa2: {  	_ =	swait.ge [sflag:s23], $0x1  }
0xa3: {  	[sflag:s23] =	ssyncset.done $0x0  }
0xa4: {  	s25 =	simm.s32 $0x1B8E;
	s24 =	sld [smem:$0x3FFE];
	[sflag:s23] =	ssyncadd.s32 $0xFFFFFFFF  }
0xa5: {  	s26 =	simm.s32 $execute0_lowered;
	[smem:$0x3FD2] =	sst s25  }
0xa6: {  	s4 =	sshll.u32 s26, $0x1;
	_ =	strace $0x80000046;
	[dreg:$0x1] =	wrdreg $0xFFFFFFFF  }
0xa7: {  	s28 =	simm.s32 $_size_execute0_lowered;
	s2 =	sadd.s32 s2, s4;
	[dreg:$0x0] =	wrdreg $0x0  }
0xa8: {  	s4 =	sshll.u32 s28, $0x1;
	[dreg:$0x2] =	wrdreg s2  }
0xa9: {  	[dreg:$0x3] =	wrdreg s4  }
0xaa: {  	[dreg:$0x4] =	wrdreg $0xC0  }
0xab: {  	_ =	task [dreg:s6], $0x5FFFF  }
0xac: {  	[dreg:$0x1] =	wrdreg $0xFFFFFFFF  }
0xad: {  	[dreg:$0x0] =	wrdreg $0x60  }
0xae: {  	[dreg:$0x2] =	wrdreg s24  }
0xaf: {  	[dreg:$0x3] =	wrdreg $0x4E000  }
0xb0: {  	[dreg:$0x4] =	wrdreg $0x9  }
0xb1: {  	_ =	task.clear_ibuf [dreg:s6], $0x5FFFF;
	_ =	strace $0x90000046  }
0xb2: {  	s29 =	simm.s32 $0x9;
	_ =	strace $0x80000048  }
0xb3: {  	_ =	swait.ge [sflag:s29], $0x1  }
0xb4: {  	[sflag:s29] =	ssyncadd.s32 $0xFFFFFFFF  }
0xb5: {  	_ =	strace $0x90000048  }
0xb6: {  	_ =	sfence  }
0xb7: {  	s30 =	sld [smem:$0x0];
	_ =	sdelay $0x2  }
0xb8: {  	s31 =	sshll.u32 s1, $0xD;
	s1 =	sshrl.u32 s1, $0x2  }
0xb9: {  	s3 =	sand.u32 $0x4000, s31;
	s1 =	sadd.s32 s1, s30  }
0xba: {  	s0 =	sor.u32 s3, s0;
	s1 =	sshll.u32 s1, $0x11  }
0xbb: {  	s0 =	sor.u32 s1, s0  }
0xbc: {  	s0 =	sadd.s32 $0x8F2B, s0  }
0xbd: {  	[sflag:s0] =	ssyncadd.remote.s32 $0x1  }
0xbe: {  	_ =	sfence.sel $0xFFFF  }
0xbf: {  	[dreg:$0x0] =	wrdreg $0xFFFFFFFF;
	(pc) =	sbr.abs _section_cstart, $3  }
0xc0: {  	[dreg:$0x1] =	wrdreg $0xFFFFFFFF  }
0xc1: {  	_ =	task.clear_ibuf [dreg:s6], $0x2FFFF;
	_ =	strace $0x9FFFFFFF  }
0xc2: {  	(tm) =	ssettm $0x7FFFFFFF  }
0xc3: {  	_ =	shalt  }
tec
execute0_lowered:
.L_overlay_start_1:
0x0: {  	(tag) =	ssettag $0x1  }
0x1: {  	s6 =	rddreg [dreg:$0x0]  }
0x2: {  	s0 =	srdreg.scid;
	s2 =	rddreg [dreg:$0x1]  }
0x3: {  	s3 =	simm.s32 $0x0;
	s5 =	sand.u32 $0x1, s0;
	s0 =	stileid.u32  }
0x4: {  	s14 =	simm.s32 $0x180;
	s15 =	simm.s32 $0x0;
	s7 =	smul.u32 $0x2800, s0  }
0x5: {  	[smem:$0x7FF] =	sst s3;
	s1 =	sshll.u32 s5, $0x4;
	s8 =	smul.u32 $0x500, s0  }
0x6: {  	s10 =	smul.u32 $0x5000, s5;
	s30 =	ssub.s32 $0x2, s5;
	p0 =	seq.s32 s5, $0x0  }
0x7: {  	s5 =	simm.s32 $0x24;
	s31 =	sshll.u32 s0, $0x6;
	s1 =	sor.u32 s0, s1  }
0x8: {  	s12 =	sshrl.u32 s30, $0x1;
	s5 =	simm.s32 @!p0 $0x11;
	s4 =	smul.u32 $0x6C0, s1  }
0x9: {  	s1 =	rddreg [dreg:$0x2];
	s9 =	sshrl.u32 s7, $0x3;
	_ =	strace $0x80000047  }
0xa: {  	s8 =	sadd.s32 s8, s10;
	s10 =	ssub.s32 s30, s12;
	s13 =	sadd.s32 s7, s2  }
0xb: {  	s12 =	sor.u32 $0x1C01, s31;
	s9 =	sadd.s32 s9, s6;
	s8 =	sadd.s32 s8, s6  }
0xc: {  	s13 =	sshrl.u32 s13, $0x3;
	s11 =	sadd.s32 s4, s6;
	s4 =	sadd.s32 $0x16000, s6  }
0xd: {  	s7 =	sadd.s32 $0x11000, s9;
	s8 =	sadd.s32 $0x16400, s8;
	s9 =	smax.u32 s10, $0x1  }
0xe: {  	s10 =	simm.s32 $0x1;
	s6 =	sadd.s32 $0x3800, s11;
	s11 =	simm.s32 $0x3600  }
.LBB2_1:
0xf: {  	[tilespmem:s3], [sflag:$0x1] =	stream.linear.gather [hbm4b:s6+s3], $0x3600, $0x38;
	[tilespmem:$0x7600] =	vst v63  }
0x10: {  	_ =	swait.ge [sflag:s10], $0x3600  }
0x11: {  	[sflag:s10] =	ssyncset.done $0x0  }
0x12: {  	[sflag:s10] =	ssyncadd.s32 $0xFFFFCA00  }
0x13: {  	[tilespmem:s11], [sflag:$0x1] =	stream.linear.gather [hbm4b:s4+s3], $0x1800, $0x38;
	[tilespmem:$0x7600] =	vst v63  }
0x14: {  	_ =	swait.ge [sflag:s10], $0x1800  }
0x15: {  	[sflag:s10] =	ssyncset.done $0x0  }
0x16: {  	[sflag:s10] =	ssyncadd.s32 $0xFFFFE800  }
0x17: {  	[spmem:s13], [sflag:s12] =	dma.local [hbm:s7], $0x500  }
0x18: {  	_ =	swait.ge [sflag:s10], $0x500  }
0x19: {  	p0 =	sne.s32 s5, $0x1;
	[sflag:s10] =	ssyncset.done $0x0  }
.Ltmp0:
0x1a: {  	[sflag:s10] =	ssyncadd.s32 $0xFFFFFB00;
	(pc) =	sbr.rel @!p0 .LBB2_3-.Ltmp0, $4  }
0x1b: {  	[bflag:$0x0] =	sbarrier.arrive $0xFFFF  }
0x1c: {  	[spmem:s2] =	stream.indirect.scatter.add.f32 [tilespmem:s11], [sflag:$0x1], $0x10, s3, s14, $0xb8;
	[tilespmem:$0x7600] =	vst v63  }
0x1d: {  	_ =	swait.ge [sflag:s10], $0x1800  }
0x1e: {  	s16 =	sadd.s32 $0xFFFFFFFF, s5;
	s17 =	simm.s32 $0x0;
	[sflag:s10] =	ssyncset.done $0x0  }
.LBB2_2:
0x1f: {  	p0 =	sne.s32 s16, $0x1;
	[sflag:s10] =	ssyncadd.s32 $0xFFFFE800;
	s17 =	sadd.s32 $0x180, s17  }
.Ltmp1:
0x20: {  	s16 =	sadd.s32 $0xFFFFFFFF, s16;
	(pc) =	sbr.rel @p0 .LBB2_2-.Ltmp1, $4  }
0x21: {  	_ = 	snop  }
0x22: {  	[spmem:s2] =	stream.indirect.scatter.add.f32 [tilespmem:s11], [sflag:$0x1], $0x10, s17, s14, $0xb8;
	[tilespmem:$0x7600] =	vst v63  }
0x23: {  	_ =	swait.ge [sflag:s10], $0x1800  }
0x24: {  	[sflag:s10] =	ssyncset.done $0x0  }
.LBB2_3:
0x25: {  	s15 =	sadd.s32 $0x1, s15  }
0x26: {  	[sflag:s10] =	ssyncadd.s32 $0xFFFFE800;
	p0 =	sne.s32 s15, s9  }
.Ltmp2:
0x27: {  	[bflag:$0x0] =	sbarrier.arrive $0xFFFF;
	(pc) =	sbr.rel @p0 .LBB2_1-.Ltmp2, $4  }
0x28: {  	[hbm:s8], [sflag:s12] =	dma.local [spmem:s13], $0x500  }
0x29: {  	_ =	swait.ge [sflag:s10], $0x500  }
0x2a: {  	[sflag:s10] =	ssyncset.done $0x0  }
0x2b: {  	[sflag:s10] =	ssyncadd.s32 $0xFFFFFB00  }
0x2c: {  	_ =	sfence.sel $0x180000  }
0x2d: {  	[bflag:$0x0] =	sbarrier.arrive $0xFFFF  }
0x2e: {  	p0 =	sne.s32 s0, $0x0;
	_ =	strace $0x90000047  }
0x2f: {  	s0 =	sadd.s32 @!p0 $0x100000, s1;
	[bflag:$0x2] =	sbarrier.arrive $0xFFFF  }
0x30: {  	[sflag:s0] =	ssyncadd.tile.s32 @!p0 $0x1;
	_ =	shalt  }
.Lfunc_end2:
_tile_overlayer_lowered:
.L_overlay_start_2:
0x31: {  	(tag) =	ssettag $0x2  }
0x32: {  	s0 =	rddreg [dreg:$0x0];
	s2 =	stileid.u32  }
0x33: {  	s1 =	rddreg [dreg:$0x1];
	p0 =	sne.s32 s2, $0x0  }
0x34: {  	s3 =	rddreg [dreg:$0x2];
	[bflag:$0x3] =	sbarrier.arrive $0xFFFF;
	s2 =	simm.s32 @!p0 $0x1C01  }
0x35: {  	[timem:s3], [sflag:s2] =	dma.local @!p0 [hbm:s0], s1  }
0x36: {  	s0 =	simm.s32 @!p0 $0x1  }
0x37: {  	_ =	swait.ge @!p0 [sflag:s0], s1  }
0x38: {  	s1 =	ssub.s32 @!p0 $0x0, s1;
	[sflag:s0] =	ssyncset.done @!p0 $0x0  }
0x39: {  	[sflag:s0] =	ssyncadd.s32 @!p0 s1  }
0x3a: {  	[bflag:$0x3] =	sbarrier.arrive $0xFFFF  }
0x3b: {  	_ =	shalt  }

// kernel: kernel.13.cloned.1.call-start
scs
__scs_entry_jumppad:
0x0: {  	(pc) =	sbr.rel $0x88, $3  }
0x1: {  	(tag) =	ssettag $0x0;
	lr =	simm.s32 $0x1  }
0x2: {  	[smem:$0x3F8E] =	sst lr;
	_ =	strace $0xD0000000  }
0x3: {  	_ = 	snop  }
0x4: {  	_ = 	snop  }
0x5: {  	_ = 	snop  }
0x6: {  	_ = 	snop  }
0x7: {  	_ = 	snop  }
__scs_overlays_trampoline_lowered:
0x8: {  	[smem:$0x3F9D] =	sst s0  }
0x9: {  	[smem:$0x3F9E] =	sst s1  }
0xa: {  	[smem:$0x3F9F] =	sst s2  }
0xb: {  	[smem:$0x3FA0] =	sst s3  }
0xc: {  	[smem:$0x3FA1] =	sst s4  }
0xd: {  	[smem:$0x3FA2] =	sst s5  }
0xe: {  	[smem:$0x3FA3] =	sst s6  }
0xf: {  	[smem:$0x3FA4] =	sst s7  }
0x10: {  	[smem:$0x3FA5] =	sst s8  }
0x11: {  	[smem:$0x3FA6] =	sst s9;
	s0 =	simm.s32 @!p0 $0x0  }
0x12: {  	s1 =	sld [smem:$0x3F8C];
	s0 =	simm.s32 @p0 $0x1  }
0x13: {  	[smem:$0x3FA7] =	sst s0;
	s0 =	simm.s32 @!p1 $0x0  }
0x14: {  	s2 =	sld [smem:$0x3F8B];
	s0 =	simm.s32 @p1 $0x1  }
0x15: {  	[smem:$0x3FA8] =	sst s0;
	s0 =	simm.s32 @!p2 $0x0  }
0x16: {  	s3 =	sld [smem:$0x3FDB];
	s0 =	simm.s32 @p2 $0x1  }
0x17: {  	s4 =	simm.s32 $0x1BF5;
	[smem:$0x3FAA] =	sst s0  }
0x18: {  	s0 =	sld [smem:$0x3F8D];
	_ =	swait.ge [sflag:s4], $0x0  }
0x19: {  	s7 =	sld [smem:$0x3F8E]  }
0x1a: {  	s8 =	sadd.s32 $0xFFFFE003, lr  }
0x1b: {  	s9 =	sadd.s32 $0xFFFFFEF7, lr;
	s5 =	simm.s32 $0xFFFFFFFF;
	p2 =	slt.u32 s8, $0xFFFFF086  }
0x1c: {  	p1 =	slt.u32 s9, $0xF7A;
	s5 =	simm.s32 @!p2 $0x0  }
0x1d: {  	s5 =	simm.s32 @p1 $0x1;
	p0 =	seq.s32 s7, s2  }
0x1e: {  	s7 =	smul.u32 @!p0 $0xF7A, s2;
	p2 =	seq.s32 @!p0 s5, $0x0  }
0x1f: {  	s9 =	smul.u32 $0xF7A, s1;
	s8 =	simm.s32 @!p0 $0x1BF5;
	p2 =	por !p2, p0  }
0x20: {  	[sflag:s8] =	ssyncset.s32 @!p0 $0xFFFFF086;
	s6 =	sadd.s32 @!p0 s3, s7;
	s7 =	simm.s32 @!p0 $0x108  }
0x21: {  	s3 =	sadd.s32 s3, s9;
	s6 =	sadd.s32 @!p0 $0x88, s6;
	s7 =	simm.s32 @p2 $0x1082  }
0x22: {  	[simem:s7], [sflag:s8] =	dma.local @!p0 [hbm:s6], $0xF7A  }
0x23: {  	s9 =	sor.u32 $0xD0000000, s2;
	s6 =	simm.s32 $0x108;
	_ =	swait.ge @!p0 [sflag:s8], $0x0  }
0x24: {  	s3 =	sadd.s32 $0x88, s3;
	s6 =	simm.s32 @!p1 $0x1082;
	[sflag:s4] =	ssyncset.s32 $0xFFFFF086  }
0x25: {  	[simem:s6], [sflag:s4] =	dma.local [hbm:s3], $0xF7A  }
0x26: {  	[smem:$0x3F8E] =	sst s1;
	(tag) =	ssettag s2;
	_ =	strace s9  }
0x27: {  	s1 =	sld [smem:$0x3F9E]  }
0x28: {  	s2 =	sld [smem:$0x3F9F]  }
0x29: {  	s4 =	sld [smem:$0x3FA1]  }
0x2a: {  	p0 =	seq.s32 s5, $0x0;
	s5 =	sld [smem:$0x3FA2]  }
0x2b: {  	s6 =	sld [smem:$0x3FA3]  }
0x2c: {  	s7 =	sld [smem:$0x3FA4]  }
0x2d: {  	s3 =	simm.s32 $0x108;
	s8 =	sld [smem:$0x3FA5]  }
0x2e: {  	s3 =	simm.s32 @!p0 $0x1082;
	s9 =	sld [smem:$0x3FA6]  }
0x2f: {  	lr =	sadd.s32 s0, s3;
	s0 =	sld [smem:$0x3F9D]  }
0x30: {  	s3 =	sld [smem:$0x3FA0]  }
0x31: {  	[smem:$0x3FA9] =	sst s10  }
0x32: {  	s10 =	sld [smem:$0x3FA7];
	_ =	sdelay $0x3  }
0x33: {  	p0 =	seq.s32 s10, $0x1;
	s10 =	sld [smem:$0x3FA9];
	_ =	sdelay $0x3  }
0x34: {  	[smem:$0x3FA9] =	sst s10  }
0x35: {  	s10 =	sld [smem:$0x3FA8];
	_ =	sdelay $0x3  }
0x36: {  	p1 =	seq.s32 s10, $0x1;
	s10 =	sld [smem:$0x3FA9];
	_ =	sdelay $0x3  }
0x37: {  	[smem:$0x3FA9] =	sst s10  }
0x38: {  	s10 =	sld [smem:$0x3FAA]  }
0x39: {  	_ = 	snop;
	(pc) =	sbr.ind lr, $3  }
0x3a: {  	_ = 	snop  }
0x3b: {  	_ = 	snop  }
0x3c: {  	p2 =	seq.s32 s10, $0x1;
	s10 =	sld [smem:$0x3FA9]  }
0x3d: {  	_ =	shalt  }
0x3e: {  	_ =	shalt  }
0x3f: {  	_ =	shalt  }
0x40: {  	_ =	shalt  }
0x41: {  	_ =	shalt  }
0x42: {  	_ =	shalt  }
0x43: {  	_ =	shalt  }
0x44: {  	_ =	shalt  }
0x45: {  	_ =	shalt  }
0x46: {  	_ =	shalt  }
0x47: {  	_ =	shalt  }
0x48: {  	_ =	shalt  }
0x49: {  	_ =	shalt  }
0x4a: {  	_ =	shalt  }
0x4b: {  	_ =	shalt  }
0x4c: {  	_ =	shalt  }
0x4d: {  	_ =	shalt  }
0x4e: {  	_ =	shalt  }
0x4f: {  	_ =	shalt  }
0x50: {  	_ =	shalt  }
0x51: {  	_ =	shalt  }
0x52: {  	_ =	shalt  }
0x53: {  	_ =	shalt  }
0x54: {  	_ =	shalt  }
0x55: {  	_ =	shalt  }
0x56: {  	_ =	shalt  }
0x57: {  	_ =	shalt  }
0x58: {  	_ =	shalt  }
0x59: {  	_ =	shalt  }
0x5a: {  	_ =	shalt  }
0x5b: {  	_ =	shalt  }
0x5c: {  	_ =	shalt  }
0x5d: {  	_ =	shalt  }
0x5e: {  	_ =	shalt  }
0x5f: {  	_ =	shalt  }
0x60: {  	_ =	shalt  }
0x61: {  	_ =	shalt  }
0x62: {  	_ =	shalt  }
0x63: {  	_ =	shalt  }
0x64: {  	_ =	shalt  }
0x65: {  	_ =	shalt  }
0x66: {  	_ =	shalt  }
0x67: {  	_ =	shalt  }
0x68: {  	_ =	shalt  }
0x69: {  	_ =	shalt  }
0x6a: {  	_ =	shalt  }
0x6b: {  	_ =	shalt  }
0x6c: {  	_ =	shalt  }
0x6d: {  	_ =	shalt  }
0x6e: {  	_ =	shalt  }
0x6f: {  	_ =	shalt  }
0x70: {  	_ =	shalt  }
0x71: {  	_ =	shalt  }
0x72: {  	_ =	shalt  }
0x73: {  	_ =	shalt  }
0x74: {  	_ =	shalt  }
0x75: {  	_ =	shalt  }
0x76: {  	_ =	shalt  }
0x77: {  	_ =	shalt  }
0x78: {  	_ =	shalt  }
0x79: {  	_ =	shalt  }
0x7a: {  	_ =	shalt  }
0x7b: {  	_ =	shalt  }
0x7c: {  	_ =	shalt  }
0x7d: {  	_ =	shalt  }
0x7e: {  	_ =	shalt  }
0x7f: {  	_ =	shalt  }
0x80: {  	_ =	shalt  }
0x81: {  	_ =	shalt  }
0x82: {  	_ =	shalt  }
0x83: {  	_ =	shalt  }
0x84: {  	_ =	shalt  }
0x85: {  	_ =	shalt  }
0x86: {  	_ =	shalt  }
0x87: {  	_ =	shalt  }
.Lfunc_end0:
.L_simem_size_0:
called_computation.1_lowered:
.L_overlay_start_0:
0x88: {  	s2 =	sld [smem:$0x3FD9]  }
0x89: {  	s3 =	sld [smem:$0x3FFE];
	_ =	sdelay $0x1  }
0x8a: {  	s1 =	srdreg.scid  }
0x8b: {  	s0 =	sand.u32 $0x1, s1  }
0x8c: {  	s16 =	sshll.u32 s0, $0xA;
	s2 =	sadd.s32 s3, s2  }
0x8d: {  	s2 =	sadd.s32 s2, s16  }
0x8e: {  	[smem:$0x3FB5] =	sst s2  }
0x8f: {  	_ = 	snop  }
0x90: {  	(tm) =	ssettm $0x1  }
0x91: {  	s17 =	sld [smem:$0x3FFB];
	_ =	sdelay $0x3  }
0x92: {  	_ =	strace s17  }
0x93: {  	s2 =	sld [smem:$0x3FFC];
	_ =	sdelay $0x3  }
0x94: {  	_ =	strace s2  }
0x95: {  	s2 =	sld [smem:$0x3FFD];
	_ =	sdelay $0x3  }
0x96: {  	_ =	strace s2  }
0x97: {  	_ =	strace $0x8FFFFFFF  }
0x98: {  	s18 =	sld [smem:$0x3FDB];
	_ =	sdelay $0x1  }
0x99: {  	s19 =	simm.s32 $_scs_section_size  }
0x9a: {  	s4 =	simm.s32 $_size__tile_overlayer_lowered;
	s5 =	simm.s32 $_tile_overlayer_lowered  }
0x9b: {  	s22 =	simm.s32 $0x1BFF;
	s21 =	sshll.u32 s5, $0x1;
	s2 =	sadd.s32 s19, s18  }
0x9c: {  	s6 =	simm.s32 $0x0;
	s20 =	sshll.u32 s4, $0x1;
	s4 =	sadd.s32 s21, s2  }
0x9d: {  	[timem:s6], [sflag:s22] =	dma.local [hbm:s4], s20  }
0x9e: {  	_ =	swait.ge [sflag:s22], s20  }
0x9f: {  	s3 =	ssub.s32 $0x0, s20;
	[sflag:s22] =	ssyncset.done $0x0  }
0xa0: {  	[sflag:s22] =	ssyncadd.s32 s3;
	_ =	sdelay $0x1  }
0xa1: {  	s23 =	simm.s32 $0x1B8B  }
0xa2: {  	_ =	swait.ge [sflag:s23], $0x1  }
0xa3: {  	[sflag:s23] =	ssyncset.done $0x0  }
0xa4: {  	s25 =	simm.s32 $0x1B8E;
	s24 =	sld [smem:$0x3FFE];
	[sflag:s23] =	ssyncadd.s32 $0xFFFFFFFF  }
0xa5: {  	s26 =	simm.s32 $execute0_lowered;
	[smem:$0x3FD2] =	sst s25  }
0xa6: {  	s4 =	sshll.u32 s26, $0x1;
	_ =	strace $0x80000049;
	[dreg:$0x1] =	wrdreg $0xFFFFFFFF  }
0xa7: {  	s28 =	simm.s32 $_size_execute0_lowered;
	s2 =	sadd.s32 s2, s4;
	[dreg:$0x0] =	wrdreg $0x0  }
0xa8: {  	s4 =	sshll.u32 s28, $0x1;
	[dreg:$0x2] =	wrdreg s2  }
0xa9: {  	[dreg:$0x3] =	wrdreg s4  }
0xaa: {  	[dreg:$0x4] =	wrdreg $0xC0  }
0xab: {  	_ =	task [dreg:s6], $0x5FFFF  }
0xac: {  	[dreg:$0x1] =	wrdreg $0xFFFFFFFF  }
0xad: {  	[dreg:$0x0] =	wrdreg $0x60  }
0xae: {  	[dreg:$0x2] =	wrdreg s24  }
0xaf: {  	[dreg:$0x3] =	wrdreg $0xCC000  }
0xb0: {  	[dreg:$0x4] =	wrdreg $0x9  }
0xb1: {  	_ =	task.clear_ibuf [dreg:s6], $0x5FFFF;
	_ =	strace $0x90000049  }
0xb2: {  	s29 =	simm.s32 $0x9;
	_ =	strace $0x8000004B  }
0xb3: {  	_ =	swait.ge [sflag:s29], $0x1  }
0xb4: {  	[sflag:s29] =	ssyncadd.s32 $0xFFFFFFFF  }
0xb5: {  	_ =	strace $0x9000004B  }
0xb6: {  	_ =	sfence  }
0xb7: {  	s30 =	sld [smem:$0x0];
	_ =	sdelay $0x2  }
0xb8: {  	s31 =	sshll.u32 s1, $0xD;
	s1 =	sshrl.u32 s1, $0x2  }
0xb9: {  	s3 =	sand.u32 $0x4000, s31;
	s1 =	sadd.s32 s1, s30  }
0xba: {  	s0 =	sor.u32 s3, s0;
	s1 =	sshll.u32 s1, $0x11  }
0xbb: {  	s0 =	sor.u32 s1, s0  }
0xbc: {  	s0 =	sadd.s32 $0x8F2B, s0  }
0xbd: {  	[sflag:s0] =	ssyncadd.remote.s32 $0x1  }
0xbe: {  	_ =	sfence.sel $0xFFFF  }
0xbf: {  	[dreg:$0x0] =	wrdreg $0xFFFFFFFF;
	(pc) =	sbr.abs _section_cstart, $3  }
0xc0: {  	[dreg:$0x1] =	wrdreg $0xFFFFFFFF  }
0xc1: {  	_ =	task.clear_ibuf [dreg:s6], $0x2FFFF;
	_ =	strace $0x9FFFFFFF  }
0xc2: {  	(tm) =	ssettm $0x7FFFFFFF  }
0xc3: {  	_ =	shalt  }
tec
execute0_lowered:
.L_overlay_start_1:
0x0: {  	(tag) =	ssettag $0x1  }
0x1: {  	s0 =	srdreg.scid;
	s6 =	rddreg [dreg:$0x0]  }
0x2: {  	s2 =	rddreg [dreg:$0x1];
	s3 =	simm.s32 $0x0;
	s14 =	simm.s32 $0x180  }
0x3: {  	s15 =	simm.s32 $0x6C00;
	s5 =	sand.u32 $0x1, s0;
	s0 =	stileid.u32  }
0x4: {  	s16 =	simm.s32 $0x1;
	s17 =	simm.s32 $0x0;
	s8 =	smul.u32 $0xA000, s0  }
0x5: {  	[smem:$0x7FF] =	sst s3;
	s4 =	sadd.s32 $0xA5C00, s6;
	s9 =	smul.u32 $0x1400, s0  }
0x6: {  	s1 =	sshll.u32 s5, $0x4;
	s10 =	smul.u32 $0x14000, s5;
	s30 =	ssub.s32 $0x2, s5  }
0x7: {  	p0 =	seq.s32 s5, $0x0;
	s5 =	simm.s32 $0x24;
	s12 =	sshll.u32 s0, $0x6  }
0x8: {  	s1 =	sor.u32 s0, s1;
	s31 =	sshrl.u32 s30, $0x1;
	s5 =	simm.s32 @!p0 $0x11  }
0x9: {  	s12 =	sor.u32 $0x1C02, s12;
	s7 =	smul.u32 $0x6C0, s1;
	s1 =	rddreg [dreg:$0x2]  }
0xa: {  	_ =	strace $0x8000004A;
	s11 =	sshrl.u32 s8, $0x3;
	s9 =	sadd.s32 s9, s10  }
0xb: {  	s10 =	ssub.s32 s30, s31;
	s13 =	sadd.s32 s8, s2;
	s11 =	sadd.s32 s11, s6  }
0xc: {  	s9 =	sadd.s32 s9, s6;
	s10 =	smax.u32 s10, $0x1;
	s13 =	sshrl.u32 s13, $0x3  }
0xd: {  	s7 =	sadd.s32 s7, s6;
	s8 =	sadd.s32 $0xB9C00, s11;
	s9 =	sadd.s32 $0xCDC00, s9  }
0xe: {  	s11 =	simm.s32 $0x2;
	s6 =	sadd.s32 $0x20400, s7;
	s7 =	sadd.s32 $0x3800, s7  }
.LBB2_1:
0xf: {  	[tilespmem:s3], [sflag:$0x2] =	stream.linear.gather [hbm4b:s6+s3], $0x3600, $0x38;
	[tilespmem:$0x16C00] =	vst v63  }
0x10: {  	_ =	swait.ge [sflag:s11], $0x3600  }
0x11: {  	[sflag:s11] =	ssyncset.done $0x0  }
0x12: {  	s18 =	simm.s32 $0x3600;
	[sflag:s11] =	ssyncadd.s32 $0xFFFFCA00  }
0x13: {  	[tilespmem:s18], [sflag:$0x2] =	stream.linear.gather [hbm4b:s7+s3], $0x3600, $0x38;
	[tilespmem:$0x16C00] =	vst v63  }
0x14: {  	_ =	swait.ge [sflag:s11], $0x3600  }
0x15: {  	[sflag:s11] =	ssyncset.done $0x0  }
0x16: {  	[sflag:s11] =	ssyncadd.s32 $0xFFFFCA00  }
0x17: {  	[spmem:s13], [sflag:s12] =	dma.local [hbm:s8], $0x1400  }
0x18: {  	_ =	swait.ge [sflag:s11], $0x1400  }
0x19: {  	[sflag:s11] =	ssyncset.done $0x0  }
0x1a: {  	[sflag:s11] =	ssyncadd.s32 $0xFFFFEC00  }
0x1b: {  	[bflag:$0x0] =	sbarrier.arrive $0xFFFF  }
0x1c: {  	[tilespmem:s15], [sflag:$0x1] =	stream.indirect.gather [hbm4b:s4+s14], $0x40, s3, s14, $0xb8;
	[tilespmem:$0x16C00] =	vst v63  }
0x1d: {  	p0 =	sne.s32 s5, $0x1;
	_ =	swait.ge [sflag:s16], $0x6000  }
.Ltmp0:
0x1e: {  	[sflag:s16] =	ssyncset.done $0x0;
	(pc) =	sbr.rel @!p0 .LBB2_3-.Ltmp0, $4  }
0x1f: {  	[sflag:s16] =	ssyncadd.s32 $0xFFFFA000  }
0x20: {  	[spmem:s2] =	stream.indirect.scatter.add.f32 [tilespmem:s15], [sflag:$0x2], $0x40, s18, s14, $0xb8;
	[tilespmem:$0x16C00] =	vst v63  }
0x21: {  	_ =	swait.ge [sflag:s11], $0x6000  }
0x22: {  	s19 =	sadd.s32 $0xFFFFFFFF, s5;
	s20 =	simm.s32 $0x0;
	[sflag:s11] =	ssyncset.done $0x0  }
.LBB2_2:
0x23: {  	[sflag:s11] =	ssyncadd.s32 $0xFFFFA000;
	s18 =	sadd.s32 $0x180, s18;
	s20 =	sadd.s32 $0x180, s20  }
0x24: {  	[tilespmem:s15], [sflag:$0x1] =	stream.indirect.gather [hbm4b:s4+s14], $0x40, s20, s14, $0xb8;
	[tilespmem:$0x16C00] =	vst v63  }
0x25: {  	p0 =	sne.s32 s19, $0x1;
	s19 =	sadd.s32 $0xFFFFFFFF, s19;
	_ =	swait.ge [sflag:s16], $0x6000  }
.Ltmp1:
0x26: {  	[sflag:s16] =	ssyncset.done $0x0;
	(pc) =	sbr.rel @p0 .LBB2_2-.Ltmp1, $4  }
0x27: {  	[sflag:s16] =	ssyncadd.s32 $0xFFFFA000  }
0x28: {  	[spmem:s2] =	stream.indirect.scatter.add.f32 [tilespmem:s15], [sflag:$0x2], $0x40, s18, s14, $0xb8;
	[tilespmem:$0x16C00] =	vst v63  }
0x29: {  	_ =	swait.ge [sflag:s11], $0x6000  }
0x2a: {  	[sflag:s11] =	ssyncset.done $0x0  }
.LBB2_3:
0x2b: {  	s17 =	sadd.s32 $0x1, s17  }
0x2c: {  	[sflag:s11] =	ssyncadd.s32 $0xFFFFA000;
	p0 =	sne.s32 s17, s10  }
.Ltmp2:
0x2d: {  	[bflag:$0x0] =	sbarrier.arrive $0xFFFF;
	(pc) =	sbr.rel @p0 .LBB2_1-.Ltmp2, $4  }
0x2e: {  	[hbm:s9], [sflag:s12] =	dma.local [spmem:s13], $0x1400  }
0x2f: {  	_ =	swait.ge [sflag:s11], $0x1400  }
0x30: {  	[sflag:s11] =	ssyncset.done $0x0  }
0x31: {  	[sflag:s11] =	ssyncadd.s32 $0xFFFFEC00  }
0x32: {  	_ =	sfence.sel $0x180000  }
0x33: {  	[bflag:$0x0] =	sbarrier.arrive $0xFFFF  }
0x34: {  	p0 =	sne.s32 s0, $0x0;
	_ =	strace $0x9000004A  }
0x35: {  	s0 =	sadd.s32 @!p0 $0x100000, s1;
	[bflag:$0x2] =	sbarrier.arrive $0xFFFF  }
0x36: {  	[sflag:s0] =	ssyncadd.tile.s32 @!p0 $0x1;
	_ =	shalt  }
.Lfunc_end2:
_tile_overlayer_lowered:
.L_overlay_start_2:
0x37: {  	(tag) =	ssettag $0x2  }
0x38: {  	s0 =	rddreg [dreg:$0x0];
	s2 =	stileid.u32  }
0x39: {  	s1 =	rddreg [dreg:$0x1];
	p0 =	sne.s32 s2, $0x0  }
0x3a: {  	s3 =	rddreg [dreg:$0x2];
	[bflag:$0x3] =	sbarrier.arrive $0xFFFF;
	s2 =	simm.s32 @!p0 $0x1C02  }
0x3b: {  	[timem:s3], [sflag:s2] =	dma.local @!p0 [hbm:s0], s1  }
0x3c: {  	s0 =	simm.s32 @!p0 $0x2  }
0x3d: {  	_ =	swait.ge @!p0 [sflag:s0], s1  }
0x3e: {  	s1 =	ssub.s32 @!p0 $0x0, s1;
	[sflag:s0] =	ssyncset.done @!p0 $0x0  }
0x3f: {  	[sflag:s0] =	ssyncadd.s32 @!p0 s1  }
0x40: {  	[bflag:$0x3] =	sbarrier.arrive $0xFFFF  }
0x41: {  	_ =	shalt  }

// kernel: kernel.16.cloned.1.call-start
scs
__scs_entry_jumppad:
0x0: {  	(pc) =	sbr.rel $0x88, $3  }
0x1: {  	(tag) =	ssettag $0x0;
	lr =	simm.s32 $0x1  }
0x2: {  	[smem:$0x3F8E] =	sst lr;
	_ =	strace $0xD0000000  }
0x3: {  	_ = 	snop  }
0x4: {  	_ = 	snop  }
0x5: {  	_ = 	snop  }
0x6: {  	_ = 	snop  }
0x7: {  	_ = 	snop  }
__scs_overlays_trampoline_lowered:
0x8: {  	[smem:$0x3F9D] =	sst s0  }
0x9: {  	[smem:$0x3F9E] =	sst s1  }
0xa: {  	[smem:$0x3F9F] =	sst s2  }
0xb: {  	[smem:$0x3FA0] =	sst s3  }
0xc: {  	[smem:$0x3FA1] =	sst s4  }
0xd: {  	[smem:$0x3FA2] =	sst s5  }
0xe: {  	[smem:$0x3FA3] =	sst s6  }
0xf: {  	[smem:$0x3FA4] =	sst s7  }
0x10: {  	[smem:$0x3FA5] =	sst s8  }
0x11: {  	[smem:$0x3FA6] =	sst s9;
	s0 =	simm.s32 @!p0 $0x0  }
0x12: {  	s1 =	sld [smem:$0x3F8C];
	s0 =	simm.s32 @p0 $0x1  }
0x13: {  	[smem:$0x3FA7] =	sst s0;
	s0 =	simm.s32 @!p1 $0x0  }
0x14: {  	s2 =	sld [smem:$0x3F8B];
	s0 =	simm.s32 @p1 $0x1  }
0x15: {  	[smem:$0x3FA8] =	sst s0;
	s0 =	simm.s32 @!p2 $0x0  }
0x16: {  	s3 =	sld [smem:$0x3FDB];
	s0 =	simm.s32 @p2 $0x1  }
0x17: {  	s4 =	simm.s32 $0x1BF5;
	[smem:$0x3FAA] =	sst s0  }
0x18: {  	s0 =	sld [smem:$0x3F8D];
	_ =	swait.ge [sflag:s4], $0x0  }
0x19: {  	s7 =	sld [smem:$0x3F8E]  }
0x1a: {  	s8 =	sadd.s32 $0xFFFFE003, lr  }
0x1b: {  	s9 =	sadd.s32 $0xFFFFFEF7, lr;
	s5 =	simm.s32 $0xFFFFFFFF;
	p2 =	slt.u32 s8, $0xFFFFF086  }
0x1c: {  	p1 =	slt.u32 s9, $0xF7A;
	s5 =	simm.s32 @!p2 $0x0  }
0x1d: {  	s5 =	simm.s32 @p1 $0x1;
	p0 =	seq.s32 s7, s2  }
0x1e: {  	s7 =	smul.u32 @!p0 $0xF7A, s2;
	p2 =	seq.s32 @!p0 s5, $0x0  }
0x1f: {  	s9 =	smul.u32 $0xF7A, s1;
	s8 =	simm.s32 @!p0 $0x1BF5;
	p2 =	por !p2, p0  }
0x20: {  	[sflag:s8] =	ssyncset.s32 @!p0 $0xFFFFF086;
	s6 =	sadd.s32 @!p0 s3, s7;
	s7 =	simm.s32 @!p0 $0x108  }
0x21: {  	s3 =	sadd.s32 s3, s9;
	s6 =	sadd.s32 @!p0 $0x88, s6;
	s7 =	simm.s32 @p2 $0x1082  }
0x22: {  	[simem:s7], [sflag:s8] =	dma.local @!p0 [hbm:s6], $0xF7A  }
0x23: {  	s9 =	sor.u32 $0xD0000000, s2;
	s6 =	simm.s32 $0x108;
	_ =	swait.ge @!p0 [sflag:s8], $0x0  }
0x24: {  	s3 =	sadd.s32 $0x88, s3;
	s6 =	simm.s32 @!p1 $0x1082;
	[sflag:s4] =	ssyncset.s32 $0xFFFFF086  }
0x25: {  	[simem:s6], [sflag:s4] =	dma.local [hbm:s3], $0xF7A  }
0x26: {  	[smem:$0x3F8E] =	sst s1;
	(tag) =	ssettag s2;
	_ =	strace s9  }
0x27: {  	s1 =	sld [smem:$0x3F9E]  }
0x28: {  	s2 =	sld [smem:$0x3F9F]  }
0x29: {  	s4 =	sld [smem:$0x3FA1]  }
0x2a: {  	p0 =	seq.s32 s5, $0x0;
	s5 =	sld [smem:$0x3FA2]  }
0x2b: {  	s6 =	sld [smem:$0x3FA3]  }
0x2c: {  	s7 =	sld [smem:$0x3FA4]  }
0x2d: {  	s3 =	simm.s32 $0x108;
	s8 =	sld [smem:$0x3FA5]  }
0x2e: {  	s3 =	simm.s32 @!p0 $0x1082;
	s9 =	sld [smem:$0x3FA6]  }
0x2f: {  	lr =	sadd.s32 s0, s3;
	s0 =	sld [smem:$0x3F9D]  }
0x30: {  	s3 =	sld [smem:$0x3FA0]  }
0x31: {  	[smem:$0x3FA9] =	sst s10  }
0x32: {  	s10 =	sld [smem:$0x3FA7];
	_ =	sdelay $0x3  }
0x33: {  	p0 =	seq.s32 s10, $0x1;
	s10 =	sld [smem:$0x3FA9];
	_ =	sdelay $0x3  }
0x34: {  	[smem:$0x3FA9] =	sst s10  }
0x35: {  	s10 =	sld [smem:$0x3FA8];
	_ =	sdelay $0x3  }
0x36: {  	p1 =	seq.s32 s10, $0x1;
	s10 =	sld [smem:$0x3FA9];
	_ =	sdelay $0x3  }
0x37: {  	[smem:$0x3FA9] =	sst s10  }
0x38: {  	s10 =	sld [smem:$0x3FAA]  }
0x39: {  	_ = 	snop;
	(pc) =	sbr.ind lr, $3  }
0x3a: {  	_ = 	snop  }
0x3b: {  	_ = 	snop  }
0x3c: {  	p2 =	seq.s32 s10, $0x1;
	s10 =	sld [smem:$0x3FA9]  }
0x3d: {  	_ =	shalt  }
0x3e: {  	_ =	shalt  }
0x3f: {  	_ =	shalt  }
0x40: {  	_ =	shalt  }
0x41: {  	_ =	shalt  }
0x42: {  	_ =	shalt  }
0x43: {  	_ =	shalt  }
0x44: {  	_ =	shalt  }
0x45: {  	_ =	shalt  }
0x46: {  	_ =	shalt  }
0x47: {  	_ =	shalt  }
0x48: {  	_ =	shalt  }
0x49: {  	_ =	shalt  }
0x4a: {  	_ =	shalt  }
0x4b: {  	_ =	shalt  }
0x4c: {  	_ =	shalt  }
0x4d: {  	_ =	shalt  }
0x4e: {  	_ =	shalt  }
0x4f: {  	_ =	shalt  }
0x50: {  	_ =	shalt  }
0x51: {  	_ =	shalt  }
0x52: {  	_ =	shalt  }
0x53: {  	_ =	shalt  }
0x54: {  	_ =	shalt  }
0x55: {  	_ =	shalt  }
0x56: {  	_ =	shalt  }
0x57: {  	_ =	shalt  }
0x58: {  	_ =	shalt  }
0x59: {  	_ =	shalt  }
0x5a: {  	_ =	shalt  }
0x5b: {  	_ =	shalt  }
0x5c: {  	_ =	shalt  }
0x5d: {  	_ =	shalt  }
0x5e: {  	_ =	shalt  }
0x5f: {  	_ =	shalt  }
0x60: {  	_ =	shalt  }
0x61: {  	_ =	shalt  }
0x62: {  	_ =	shalt  }
0x63: {  	_ =	shalt  }
0x64: {  	_ =	shalt  }
0x65: {  	_ =	shalt  }
0x66: {  	_ =	shalt  }
0x67: {  	_ =	shalt  }
0x68: {  	_ =	shalt  }
0x69: {  	_ =	shalt  }
0x6a: {  	_ =	shalt  }
0x6b: {  	_ =	shalt  }
0x6c: {  	_ =	shalt  }
0x6d: {  	_ =	shalt  }
0x6e: {  	_ =	shalt  }
0x6f: {  	_ =	shalt  }
0x70: {  	_ =	shalt  }
0x71: {  	_ =	shalt  }
0x72: {  	_ =	shalt  }
0x73: {  	_ =	shalt  }
0x74: {  	_ =	shalt  }
0x75: {  	_ =	shalt  }
0x76: {  	_ =	shalt  }
0x77: {  	_ =	shalt  }
0x78: {  	_ =	shalt  }
0x79: {  	_ =	shalt  }
0x7a: {  	_ =	shalt  }
0x7b: {  	_ =	shalt  }
0x7c: {  	_ =	shalt  }
0x7d: {  	_ =	shalt  }
0x7e: {  	_ =	shalt  }
0x7f: {  	_ =	shalt  }
0x80: {  	_ =	shalt  }
0x81: {  	_ =	shalt  }
0x82: {  	_ =	shalt  }
0x83: {  	_ =	shalt  }
0x84: {  	_ =	shalt  }
0x85: {  	_ =	shalt  }
0x86: {  	_ =	shalt  }
0x87: {  	_ =	shalt  }
.Lfunc_end0:
.L_simem_size_0:
called_computation.2_lowered:
.L_overlay_start_0:
0x88: {  	s2 =	sld [smem:$0x3FD9]  }
0x89: {  	s3 =	sld [smem:$0x3FFE];
	_ =	sdelay $0x1  }
0x8a: {  	s1 =	srdreg.scid  }
0x8b: {  	s0 =	sand.u32 $0x1, s1  }
0x8c: {  	s16 =	sshll.u32 s0, $0xA;
	s2 =	sadd.s32 s3, s2  }
0x8d: {  	s2 =	sadd.s32 s2, s16  }
0x8e: {  	[smem:$0x3FB5] =	sst s2  }
0x8f: {  	_ = 	snop  }
0x90: {  	(tm) =	ssettm $0x1  }
0x91: {  	s17 =	sld [smem:$0x3FFB];
	_ =	sdelay $0x3  }
0x92: {  	_ =	strace s17  }
0x93: {  	s2 =	sld [smem:$0x3FFC];
	_ =	sdelay $0x3  }
0x94: {  	_ =	strace s2  }
0x95: {  	s2 =	sld [smem:$0x3FFD];
	_ =	sdelay $0x3  }
0x96: {  	_ =	strace s2  }
0x97: {  	_ =	strace $0x8FFFFFFF  }
0x98: {  	s18 =	sld [smem:$0x3FDB];
	_ =	sdelay $0x1  }
0x99: {  	s19 =	simm.s32 $_scs_section_size  }
0x9a: {  	s4 =	simm.s32 $_size__tile_overlayer_lowered;
	s5 =	simm.s32 $_tile_overlayer_lowered  }
0x9b: {  	s22 =	simm.s32 $0x1BFF;
	s21 =	sshll.u32 s5, $0x1;
	s2 =	sadd.s32 s19, s18  }
0x9c: {  	s6 =	simm.s32 $0x0;
	s20 =	sshll.u32 s4, $0x1;
	s4 =	sadd.s32 s21, s2  }
0x9d: {  	[timem:s6], [sflag:s22] =	dma.local [hbm:s4], s20  }
0x9e: {  	_ =	swait.ge [sflag:s22], s20  }
0x9f: {  	s3 =	ssub.s32 $0x0, s20;
	[sflag:s22] =	ssyncset.done $0x0  }
0xa0: {  	[sflag:s22] =	ssyncadd.s32 s3;
	_ =	sdelay $0x1  }
0xa1: {  	s23 =	simm.s32 $0x1B8B  }
0xa2: {  	_ =	swait.ge [sflag:s23], $0x1  }
0xa3: {  	[sflag:s23] =	ssyncset.done $0x0  }
0xa4: {  	s25 =	simm.s32 $0x1B8E;
	s24 =	sld [smem:$0x3FFE];
	[sflag:s23] =	ssyncadd.s32 $0xFFFFFFFF  }
0xa5: {  	s26 =	simm.s32 $execute0_lowered;
	[smem:$0x3FD2] =	sst s25  }
0xa6: {  	s4 =	sshll.u32 s26, $0x1;
	_ =	strace $0x8000004C;
	[dreg:$0x1] =	wrdreg $0xFFFFFFFF  }
0xa7: {  	s28 =	simm.s32 $_size_execute0_lowered;
	s2 =	sadd.s32 s2, s4;
	[dreg:$0x0] =	wrdreg $0x0  }
0xa8: {  	s4 =	sshll.u32 s28, $0x1;
	[dreg:$0x2] =	wrdreg s2  }
0xa9: {  	[dreg:$0x3] =	wrdreg s4  }
0xaa: {  	[dreg:$0x4] =	wrdreg $0xC0  }
0xab: {  	_ =	task [dreg:s6], $0x5FFFF  }
0xac: {  	[dreg:$0x1] =	wrdreg $0xFFFFFFFF  }
0xad: {  	[dreg:$0x0] =	wrdreg $0x60  }
0xae: {  	[dreg:$0x2] =	wrdreg s24  }
0xaf: {  	[dreg:$0x3] =	wrdreg $0xCC000  }
0xb0: {  	[dreg:$0x4] =	wrdreg $0x9  }
0xb1: {  	_ =	task.clear_ibuf [dreg:s6], $0x5FFFF;
	_ =	strace $0x9000004C  }
0xb2: {  	s29 =	simm.s32 $0x9;
	_ =	strace $0x8000004E  }
0xb3: {  	_ =	swait.ge [sflag:s29], $0x1  }
0xb4: {  	[sflag:s29] =	ssyncadd.s32 $0xFFFFFFFF  }
0xb5: {  	_ =	strace $0x9000004E  }
0xb6: {  	_ =	sfence  }
0xb7: {  	s30 =	sld [smem:$0x0];
	_ =	sdelay $0x2  }
0xb8: {  	s31 =	sshll.u32 s1, $0xD;
	s1 =	sshrl.u32 s1, $0x2  }
0xb9: {  	s3 =	sand.u32 $0x4000, s31;
	s1 =	sadd.s32 s1, s30  }
0xba: {  	s0 =	sor.u32 s3, s0;
	s1 =	sshll.u32 s1, $0x11  }
0xbb: {  	s0 =	sor.u32 s1, s0  }
0xbc: {  	s0 =	sadd.s32 $0x8F2B, s0  }
0xbd: {  	[sflag:s0] =	ssyncadd.remote.s32 $0x1  }
0xbe: {  	_ =	sfence.sel $0xFFFF  }
0xbf: {  	[dreg:$0x0] =	wrdreg $0xFFFFFFFF;
	(pc) =	sbr.abs _section_cstart, $3  }
0xc0: {  	[dreg:$0x1] =	wrdreg $0xFFFFFFFF  }
0xc1: {  	_ =	task.clear_ibuf [dreg:s6], $0x2FFFF;
	_ =	strace $0x9FFFFFFF  }
0xc2: {  	(tm) =	ssettm $0x7FFFFFFF  }
0xc3: {  	_ =	shalt  }
tec
execute0_lowered:
.L_overlay_start_1:
0x0: {  	(tag) =	ssettag $0x1  }
0x1: {  	s0 =	srdreg.scid;
	s6 =	rddreg [dreg:$0x0]  }
0x2: {  	s2 =	rddreg [dreg:$0x1];
	s3 =	simm.s32 $0x0;
	s14 =	simm.s32 $0x180  }
0x3: {  	s15 =	simm.s32 $0x6C00;
	s5 =	sand.u32 $0x1, s0;
	s0 =	stileid.u32  }
0x4: {  	s16 =	simm.s32 $0x1;
	s17 =	simm.s32 $0x0;
	s8 =	smul.u32 $0xA000, s0  }
0x5: {  	[smem:$0x7FF] =	sst s3;
	s4 =	sadd.s32 $0x7DC00, s6;
	s9 =	smul.u32 $0x1400, s0  }
0x6: {  	s1 =	sshll.u32 s5, $0x4;
	s10 =	smul.u32 $0x14000, s5;
	s30 =	ssub.s32 $0x2, s5  }
0x7: {  	p0 =	seq.s32 s5, $0x0;
	s5 =	simm.s32 $0x24;
	s12 =	sshll.u32 s0, $0x6  }
0x8: {  	s1 =	sor.u32 s0, s1;
	s31 =	sshrl.u32 s30, $0x1;
	s5 =	simm.s32 @!p0 $0x11  }
0x9: {  	s12 =	sor.u32 $0x1C02, s12;
	s7 =	smul.u32 $0x6C0, s1;
	s1 =	rddreg [dreg:$0x2]  }
0xa: {  	_ =	strace $0x8000004D;
	s11 =	sshrl.u32 s8, $0x3;
	s9 =	sadd.s32 s9, s10  }
0xb: {  	s10 =	ssub.s32 s30, s31;
	s13 =	sadd.s32 s8, s2;
	s11 =	sadd.s32 s11, s6  }
0xc: {  	s9 =	sadd.s32 s9, s6;
	s10 =	smax.u32 s10, $0x1;
	s13 =	sshrl.u32 s13, $0x3  }
0xd: {  	s7 =	sadd.s32 s7, s6;
	s8 =	sadd.s32 $0xB9C00, s11;
	s9 =	sadd.s32 $0x91C00, s9  }
0xe: {  	s11 =	simm.s32 $0x2;
	s6 =	sadd.s32 $0x20400, s7;
	s7 =	sadd.s32 $0x3800, s7  }
.LBB2_1:
0xf: {  	[tilespmem:s3], [sflag:$0x2] =	stream.linear.gather [hbm4b:s6+s3], $0x3600, $0x38;
	[tilespmem:$0x16C00] =	vst v63  }
0x10: {  	_ =	swait.ge [sflag:s11], $0x3600  }
0x11: {  	[sflag:s11] =	ssyncset.done $0x0  }
0x12: {  	s18 =	simm.s32 $0x3600;
	[sflag:s11] =	ssyncadd.s32 $0xFFFFCA00  }
0x13: {  	[tilespmem:s18], [sflag:$0x2] =	stream.linear.gather [hbm4b:s7+s3], $0x3600, $0x38;
	[tilespmem:$0x16C00] =	vst v63  }
0x14: {  	_ =	swait.ge [sflag:s11], $0x3600  }
0x15: {  	[sflag:s11] =	ssyncset.done $0x0  }
0x16: {  	[sflag:s11] =	ssyncadd.s32 $0xFFFFCA00  }
0x17: {  	[spmem:s13], [sflag:s12] =	dma.local [hbm:s8], $0x1400  }
0x18: {  	_ =	swait.ge [sflag:s11], $0x1400  }
0x19: {  	[sflag:s11] =	ssyncset.done $0x0  }
0x1a: {  	[sflag:s11] =	ssyncadd.s32 $0xFFFFEC00  }
0x1b: {  	[bflag:$0x0] =	sbarrier.arrive $0xFFFF  }
0x1c: {  	[tilespmem:s15], [sflag:$0x1] =	stream.indirect.gather [hbm4b:s4+s14], $0x40, s3, s14, $0xb8;
	[tilespmem:$0x16C00] =	vst v63  }
0x1d: {  	p0 =	sne.s32 s5, $0x1;
	_ =	swait.ge [sflag:s16], $0x6000  }
.Ltmp0:
0x1e: {  	[sflag:s16] =	ssyncset.done $0x0;
	(pc) =	sbr.rel @!p0 .LBB2_3-.Ltmp0, $4  }
0x1f: {  	[sflag:s16] =	ssyncadd.s32 $0xFFFFA000  }
0x20: {  	[spmem:s2] =	stream.indirect.scatter.add.f32 [tilespmem:s15], [sflag:$0x2], $0x40, s18, s14, $0xb8;
	[tilespmem:$0x16C00] =	vst v63  }
0x21: {  	_ =	swait.ge [sflag:s11], $0x6000  }
0x22: {  	s19 =	sadd.s32 $0xFFFFFFFF, s5;
	s20 =	simm.s32 $0x0;
	[sflag:s11] =	ssyncset.done $0x0  }
.LBB2_2:
0x23: {  	[sflag:s11] =	ssyncadd.s32 $0xFFFFA000;
	s18 =	sadd.s32 $0x180, s18;
	s20 =	sadd.s32 $0x180, s20  }
0x24: {  	[tilespmem:s15], [sflag:$0x1] =	stream.indirect.gather [hbm4b:s4+s14], $0x40, s20, s14, $0xb8;
	[tilespmem:$0x16C00] =	vst v63  }
0x25: {  	p0 =	sne.s32 s19, $0x1;
	s19 =	sadd.s32 $0xFFFFFFFF, s19;
	_ =	swait.ge [sflag:s16], $0x6000  }
.Ltmp1:
0x26: {  	[sflag:s16] =	ssyncset.done $0x0;
	(pc) =	sbr.rel @p0 .LBB2_2-.Ltmp1, $4  }
0x27: {  	[sflag:s16] =	ssyncadd.s32 $0xFFFFA000  }
0x28: {  	[spmem:s2] =	stream.indirect.scatter.add.f32 [tilespmem:s15], [sflag:$0x2], $0x40, s18, s14, $0xb8;
	[tilespmem:$0x16C00] =	vst v63  }
0x29: {  	_ =	swait.ge [sflag:s11], $0x6000  }
0x2a: {  	[sflag:s11] =	ssyncset.done $0x0  }
.LBB2_3:
0x2b: {  	s17 =	sadd.s32 $0x1, s17  }
0x2c: {  	[sflag:s11] =	ssyncadd.s32 $0xFFFFA000;
	p0 =	sne.s32 s17, s10  }
.Ltmp2:
0x2d: {  	[bflag:$0x0] =	sbarrier.arrive $0xFFFF;
	(pc) =	sbr.rel @p0 .LBB2_1-.Ltmp2, $4  }
0x2e: {  	[hbm:s9], [sflag:s12] =	dma.local [spmem:s13], $0x1400  }
0x2f: {  	_ =	swait.ge [sflag:s11], $0x1400  }
0x30: {  	[sflag:s11] =	ssyncset.done $0x0  }
0x31: {  	[sflag:s11] =	ssyncadd.s32 $0xFFFFEC00  }
0x32: {  	_ =	sfence.sel $0x180000  }
0x33: {  	[bflag:$0x0] =	sbarrier.arrive $0xFFFF  }
0x34: {  	p0 =	sne.s32 s0, $0x0;
	_ =	strace $0x9000004D  }
0x35: {  	s0 =	sadd.s32 @!p0 $0x100000, s1;
	[bflag:$0x2] =	sbarrier.arrive $0xFFFF  }
0x36: {  	[sflag:s0] =	ssyncadd.tile.s32 @!p0 $0x1;
	_ =	shalt  }
.Lfunc_end2:
_tile_overlayer_lowered:
.L_overlay_start_2:
0x37: {  	(tag) =	ssettag $0x2  }
0x38: {  	s0 =	rddreg [dreg:$0x0];
	s2 =	stileid.u32  }
0x39: {  	s1 =	rddreg [dreg:$0x1];
	p0 =	sne.s32 s2, $0x0  }
0x3a: {  	s3 =	rddreg [dreg:$0x2];
	[bflag:$0x3] =	sbarrier.arrive $0xFFFF;
	s2 =	simm.s32 @!p0 $0x1C02  }
0x3b: {  	[timem:s3], [sflag:s2] =	dma.local @!p0 [hbm:s0], s1  }
0x3c: {  	s0 =	simm.s32 @!p0 $0x2  }
0x3d: {  	_ =	swait.ge @!p0 [sflag:s0], s1  }
0x3e: {  	s1 =	ssub.s32 @!p0 $0x0, s1;
	[sflag:s0] =	ssyncset.done @!p0 $0x0  }
0x3f: {  	[sflag:s0] =	ssyncadd.s32 @!p0 s1  }
0x40: {  	[bflag:$0x3] =	sbarrier.arrive $0xFFFF  }
0x41: {  	_ =	shalt  }

// kernel: kernel.19.cloned.1.call-start
scs
__scs_entry_jumppad:
0x0: {  	(pc) =	sbr.rel $0x88, $3  }
0x1: {  	(tag) =	ssettag $0x0;
	lr =	simm.s32 $0x1  }
0x2: {  	[smem:$0x3F8E] =	sst lr;
	_ =	strace $0xD0000000  }
0x3: {  	_ = 	snop  }
0x4: {  	_ = 	snop  }
0x5: {  	_ = 	snop  }
0x6: {  	_ = 	snop  }
0x7: {  	_ = 	snop  }
__scs_overlays_trampoline_lowered:
0x8: {  	[smem:$0x3F9D] =	sst s0  }
0x9: {  	[smem:$0x3F9E] =	sst s1  }
0xa: {  	[smem:$0x3F9F] =	sst s2  }
0xb: {  	[smem:$0x3FA0] =	sst s3  }
0xc: {  	[smem:$0x3FA1] =	sst s4  }
0xd: {  	[smem:$0x3FA2] =	sst s5  }
0xe: {  	[smem:$0x3FA3] =	sst s6  }
0xf: {  	[smem:$0x3FA4] =	sst s7  }
0x10: {  	[smem:$0x3FA5] =	sst s8  }
0x11: {  	[smem:$0x3FA6] =	sst s9;
	s0 =	simm.s32 @!p0 $0x0  }
0x12: {  	s1 =	sld [smem:$0x3F8C];
	s0 =	simm.s32 @p0 $0x1  }
0x13: {  	[smem:$0x3FA7] =	sst s0;
	s0 =	simm.s32 @!p1 $0x0  }
0x14: {  	s2 =	sld [smem:$0x3F8B];
	s0 =	simm.s32 @p1 $0x1  }
0x15: {  	[smem:$0x3FA8] =	sst s0;
	s0 =	simm.s32 @!p2 $0x0  }
0x16: {  	s3 =	sld [smem:$0x3FDB];
	s0 =	simm.s32 @p2 $0x1  }
0x17: {  	s4 =	simm.s32 $0x1BF5;
	[smem:$0x3FAA] =	sst s0  }
0x18: {  	s0 =	sld [smem:$0x3F8D];
	_ =	swait.ge [sflag:s4], $0x0  }
0x19: {  	s7 =	sld [smem:$0x3F8E]  }
0x1a: {  	s8 =	sadd.s32 $0xFFFFE003, lr  }
0x1b: {  	s9 =	sadd.s32 $0xFFFFFEF7, lr;
	s5 =	simm.s32 $0xFFFFFFFF;
	p2 =	slt.u32 s8, $0xFFFFF086  }
0x1c: {  	p1 =	slt.u32 s9, $0xF7A;
	s5 =	simm.s32 @!p2 $0x0  }
0x1d: {  	s5 =	simm.s32 @p1 $0x1;
	p0 =	seq.s32 s7, s2  }
0x1e: {  	s7 =	smul.u32 @!p0 $0xF7A, s2;
	p2 =	seq.s32 @!p0 s5, $0x0  }
0x1f: {  	s9 =	smul.u32 $0xF7A, s1;
	s8 =	simm.s32 @!p0 $0x1BF5;
	p2 =	por !p2, p0  }
0x20: {  	[sflag:s8] =	ssyncset.s32 @!p0 $0xFFFFF086;
	s6 =	sadd.s32 @!p0 s3, s7;
	s7 =	simm.s32 @!p0 $0x108  }
0x21: {  	s3 =	sadd.s32 s3, s9;
	s6 =	sadd.s32 @!p0 $0x88, s6;
	s7 =	simm.s32 @p2 $0x1082  }
0x22: {  	[simem:s7], [sflag:s8] =	dma.local @!p0 [hbm:s6], $0xF7A  }
0x23: {  	s9 =	sor.u32 $0xD0000000, s2;
	s6 =	simm.s32 $0x108;
	_ =	swait.ge @!p0 [sflag:s8], $0x0  }
0x24: {  	s3 =	sadd.s32 $0x88, s3;
	s6 =	simm.s32 @!p1 $0x1082;
	[sflag:s4] =	ssyncset.s32 $0xFFFFF086  }
0x25: {  	[simem:s6], [sflag:s4] =	dma.local [hbm:s3], $0xF7A  }
0x26: {  	[smem:$0x3F8E] =	sst s1;
	(tag) =	ssettag s2;
	_ =	strace s9  }
0x27: {  	s1 =	sld [smem:$0x3F9E]  }
0x28: {  	s2 =	sld [smem:$0x3F9F]  }
0x29: {  	s4 =	sld [smem:$0x3FA1]  }
0x2a: {  	p0 =	seq.s32 s5, $0x0;
	s5 =	sld [smem:$0x3FA2]  }
0x2b: {  	s6 =	sld [smem:$0x3FA3]  }
0x2c: {  	s7 =	sld [smem:$0x3FA4]  }
0x2d: {  	s3 =	simm.s32 $0x108;
	s8 =	sld [smem:$0x3FA5]  }
0x2e: {  	s3 =	simm.s32 @!p0 $0x1082;
	s9 =	sld [smem:$0x3FA6]  }
0x2f: {  	lr =	sadd.s32 s0, s3;
	s0 =	sld [smem:$0x3F9D]  }
0x30: {  	s3 =	sld [smem:$0x3FA0]  }
0x31: {  	[smem:$0x3FA9] =	sst s10  }
0x32: {  	s10 =	sld [smem:$0x3FA7];
	_ =	sdelay $0x3  }
0x33: {  	p0 =	seq.s32 s10, $0x1;
	s10 =	sld [smem:$0x3FA9];
	_ =	sdelay $0x3  }
0x34: {  	[smem:$0x3FA9] =	sst s10  }
0x35: {  	s10 =	sld [smem:$0x3FA8];
	_ =	sdelay $0x3  }
0x36: {  	p1 =	seq.s32 s10, $0x1;
	s10 =	sld [smem:$0x3FA9];
	_ =	sdelay $0x3  }
0x37: {  	[smem:$0x3FA9] =	sst s10  }
0x38: {  	s10 =	sld [smem:$0x3FAA]  }
0x39: {  	_ = 	snop;
	(pc) =	sbr.ind lr, $3  }
0x3a: {  	_ = 	snop  }
0x3b: {  	_ = 	snop  }
0x3c: {  	p2 =	seq.s32 s10, $0x1;
	s10 =	sld [smem:$0x3FA9]  }
0x3d: {  	_ =	shalt  }
0x3e: {  	_ =	shalt  }
0x3f: {  	_ =	shalt  }
0x40: {  	_ =	shalt  }
0x41: {  	_ =	shalt  }
0x42: {  	_ =	shalt  }
0x43: {  	_ =	shalt  }
0x44: {  	_ =	shalt  }
0x45: {  	_ =	shalt  }
0x46: {  	_ =	shalt  }
0x47: {  	_ =	shalt  }
0x48: {  	_ =	shalt  }
0x49: {  	_ =	shalt  }
0x4a: {  	_ =	shalt  }
0x4b: {  	_ =	shalt  }
0x4c: {  	_ =	shalt  }
0x4d: {  	_ =	shalt  }
0x4e: {  	_ =	shalt  }
0x4f: {  	_ =	shalt  }
0x50: {  	_ =	shalt  }
0x51: {  	_ =	shalt  }
0x52: {  	_ =	shalt  }
0x53: {  	_ =	shalt  }
0x54: {  	_ =	shalt  }
0x55: {  	_ =	shalt  }
0x56: {  	_ =	shalt  }
0x57: {  	_ =	shalt  }
0x58: {  	_ =	shalt  }
0x59: {  	_ =	shalt  }
0x5a: {  	_ =	shalt  }
0x5b: {  	_ =	shalt  }
0x5c: {  	_ =	shalt  }
0x5d: {  	_ =	shalt  }
0x5e: {  	_ =	shalt  }
0x5f: {  	_ =	shalt  }
0x60: {  	_ =	shalt  }
0x61: {  	_ =	shalt  }
0x62: {  	_ =	shalt  }
0x63: {  	_ =	shalt  }
0x64: {  	_ =	shalt  }
0x65: {  	_ =	shalt  }
0x66: {  	_ =	shalt  }
0x67: {  	_ =	shalt  }
0x68: {  	_ =	shalt  }
0x69: {  	_ =	shalt  }
0x6a: {  	_ =	shalt  }
0x6b: {  	_ =	shalt  }
0x6c: {  	_ =	shalt  }
0x6d: {  	_ =	shalt  }
0x6e: {  	_ =	shalt  }
0x6f: {  	_ =	shalt  }
0x70: {  	_ =	shalt  }
0x71: {  	_ =	shalt  }
0x72: {  	_ =	shalt  }
0x73: {  	_ =	shalt  }
0x74: {  	_ =	shalt  }
0x75: {  	_ =	shalt  }
0x76: {  	_ =	shalt  }
0x77: {  	_ =	shalt  }
0x78: {  	_ =	shalt  }
0x79: {  	_ =	shalt  }
0x7a: {  	_ =	shalt  }
0x7b: {  	_ =	shalt  }
0x7c: {  	_ =	shalt  }
0x7d: {  	_ =	shalt  }
0x7e: {  	_ =	shalt  }
0x7f: {  	_ =	shalt  }
0x80: {  	_ =	shalt  }
0x81: {  	_ =	shalt  }
0x82: {  	_ =	shalt  }
0x83: {  	_ =	shalt  }
0x84: {  	_ =	shalt  }
0x85: {  	_ =	shalt  }
0x86: {  	_ =	shalt  }
0x87: {  	_ =	shalt  }
.Lfunc_end0:
.L_simem_size_0:
called_computation.3_lowered:
.L_overlay_start_0:
0x88: {  	s2 =	sld [smem:$0x3FD9]  }
0x89: {  	s3 =	sld [smem:$0x3FFE];
	_ =	sdelay $0x1  }
0x8a: {  	s1 =	srdreg.scid  }
0x8b: {  	s0 =	sand.u32 $0x1, s1  }
0x8c: {  	s16 =	sshll.u32 s0, $0xA;
	s2 =	sadd.s32 s3, s2  }
0x8d: {  	s2 =	sadd.s32 s2, s16  }
0x8e: {  	[smem:$0x3FB5] =	sst s2  }
0x8f: {  	_ = 	snop  }
0x90: {  	(tm) =	ssettm $0x1  }
0x91: {  	s17 =	sld [smem:$0x3FFB];
	_ =	sdelay $0x3  }
0x92: {  	_ =	strace s17  }
0x93: {  	s2 =	sld [smem:$0x3FFC];
	_ =	sdelay $0x3  }
0x94: {  	_ =	strace s2  }
0x95: {  	s2 =	sld [smem:$0x3FFD];
	_ =	sdelay $0x3  }
0x96: {  	_ =	strace s2  }
0x97: {  	_ =	strace $0x8FFFFFFF  }
0x98: {  	s18 =	sld [smem:$0x3FDB];
	_ =	sdelay $0x1  }
0x99: {  	s19 =	simm.s32 $_scs_section_size  }
0x9a: {  	s4 =	simm.s32 $_size__tile_overlayer_lowered;
	s5 =	simm.s32 $_tile_overlayer_lowered  }
0x9b: {  	s22 =	simm.s32 $0x1BFF;
	s21 =	sshll.u32 s5, $0x1;
	s2 =	sadd.s32 s19, s18  }
0x9c: {  	s6 =	simm.s32 $0x0;
	s20 =	sshll.u32 s4, $0x1;
	s4 =	sadd.s32 s21, s2  }
0x9d: {  	[timem:s6], [sflag:s22] =	dma.local [hbm:s4], s20  }
0x9e: {  	_ =	swait.ge [sflag:s22], s20  }
0x9f: {  	s3 =	ssub.s32 $0x0, s20;
	[sflag:s22] =	ssyncset.done $0x0  }
0xa0: {  	[sflag:s22] =	ssyncadd.s32 s3;
	_ =	sdelay $0x1  }
0xa1: {  	s23 =	simm.s32 $0x1B8B  }
0xa2: {  	_ =	swait.ge [sflag:s23], $0x1  }
0xa3: {  	[sflag:s23] =	ssyncset.done $0x0  }
0xa4: {  	s25 =	simm.s32 $0x1B8E;
	s24 =	sld [smem:$0x3FFE];
	[sflag:s23] =	ssyncadd.s32 $0xFFFFFFFF  }
0xa5: {  	s26 =	simm.s32 $execute0_lowered;
	[smem:$0x3FD2] =	sst s25  }
0xa6: {  	s4 =	sshll.u32 s26, $0x1;
	_ =	strace $0x8000004F;
	[dreg:$0x1] =	wrdreg $0xFFFFFFFF  }
0xa7: {  	s28 =	simm.s32 $_size_execute0_lowered;
	s2 =	sadd.s32 s2, s4;
	[dreg:$0x0] =	wrdreg $0x0  }
0xa8: {  	s4 =	sshll.u32 s28, $0x1;
	[dreg:$0x2] =	wrdreg s2  }
0xa9: {  	[dreg:$0x3] =	wrdreg s4  }
0xaa: {  	[dreg:$0x4] =	wrdreg $0xC0  }
0xab: {  	_ =	task [dreg:s6], $0x5FFFF  }
0xac: {  	[dreg:$0x1] =	wrdreg $0xFFFFFFFF  }
0xad: {  	[dreg:$0x0] =	wrdreg $0x60  }
0xae: {  	[dreg:$0x2] =	wrdreg s24  }
0xaf: {  	[dreg:$0x3] =	wrdreg $0xCC000  }
0xb0: {  	[dreg:$0x4] =	wrdreg $0x9  }
0xb1: {  	_ =	task.clear_ibuf [dreg:s6], $0x5FFFF;
	_ =	strace $0x9000004F  }
0xb2: {  	s29 =	simm.s32 $0x9;
	_ =	strace $0x80000051  }
0xb3: {  	_ =	swait.ge [sflag:s29], $0x1  }
0xb4: {  	[sflag:s29] =	ssyncadd.s32 $0xFFFFFFFF  }
0xb5: {  	_ =	strace $0x90000051  }
0xb6: {  	_ =	sfence  }
0xb7: {  	s30 =	sld [smem:$0x0];
	_ =	sdelay $0x2  }
0xb8: {  	s31 =	sshll.u32 s1, $0xD;
	s1 =	sshrl.u32 s1, $0x2  }
0xb9: {  	s3 =	sand.u32 $0x4000, s31;
	s1 =	sadd.s32 s1, s30  }
0xba: {  	s0 =	sor.u32 s3, s0;
	s1 =	sshll.u32 s1, $0x11  }
0xbb: {  	s0 =	sor.u32 s1, s0  }
0xbc: {  	s0 =	sadd.s32 $0x8F2B, s0  }
0xbd: {  	[sflag:s0] =	ssyncadd.remote.s32 $0x1  }
0xbe: {  	_ =	sfence.sel $0xFFFF  }
0xbf: {  	[dreg:$0x0] =	wrdreg $0xFFFFFFFF;
	(pc) =	sbr.abs _section_cstart, $3  }
0xc0: {  	[dreg:$0x1] =	wrdreg $0xFFFFFFFF  }
0xc1: {  	_ =	task.clear_ibuf [dreg:s6], $0x2FFFF;
	_ =	strace $0x9FFFFFFF  }
0xc2: {  	(tm) =	ssettm $0x7FFFFFFF  }
0xc3: {  	_ =	shalt  }
tec
execute0_lowered:
.L_overlay_start_1:
0x0: {  	(tag) =	ssettag $0x1  }
0x1: {  	s0 =	srdreg.scid;
	s6 =	rddreg [dreg:$0x0]  }
0x2: {  	s2 =	rddreg [dreg:$0x1];
	s3 =	simm.s32 $0x0;
	s14 =	simm.s32 $0x180  }
0x3: {  	s15 =	simm.s32 $0x6C00;
	s5 =	sand.u32 $0x1, s0;
	s0 =	stileid.u32  }
0x4: {  	s16 =	simm.s32 $0x1;
	s17 =	simm.s32 $0x0;
	s8 =	smul.u32 $0xA000, s0  }
0x5: {  	[smem:$0x7FF] =	sst s3;
	s4 =	sadd.s32 $0x7DC00, s6;
	s9 =	smul.u32 $0x1400, s0  }
0x6: {  	s1 =	sshll.u32 s5, $0x4;
	s10 =	smul.u32 $0x14000, s5;
	s30 =	ssub.s32 $0x2, s5  }
0x7: {  	p0 =	seq.s32 s5, $0x0;
	s5 =	simm.s32 $0x24;
	s12 =	sshll.u32 s0, $0x6  }
0x8: {  	s1 =	sor.u32 s0, s1;
	s31 =	sshrl.u32 s30, $0x1;
	s5 =	simm.s32 @!p0 $0x11  }
0x9: {  	s12 =	sor.u32 $0x1C02, s12;
	s7 =	smul.u32 $0x6C0, s1;
	s1 =	rddreg [dreg:$0x2]  }
0xa: {  	_ =	strace $0x80000050;
	s11 =	sshrl.u32 s8, $0x3;
	s9 =	sadd.s32 s9, s10  }
0xb: {  	s10 =	ssub.s32 s30, s31;
	s13 =	sadd.s32 s8, s2;
	s11 =	sadd.s32 s11, s6  }
0xc: {  	s9 =	sadd.s32 s9, s6;
	s10 =	smax.u32 s10, $0x1;
	s13 =	sshrl.u32 s13, $0x3  }
0xd: {  	s7 =	sadd.s32 s7, s6;
	s8 =	sadd.s32 $0xB9C00, s11;
	s9 =	sadd.s32 $0x91C00, s9  }
0xe: {  	s11 =	simm.s32 $0x2;
	s6 =	sadd.s32 $0x20400, s7;
	s7 =	sadd.s32 $0x3800, s7  }
.LBB2_1:
0xf: {  	[tilespmem:s3], [sflag:$0x2] =	stream.linear.gather [hbm4b:s6+s3], $0x3600, $0x38;
	[tilespmem:$0x16C00] =	vst v63  }
0x10: {  	_ =	swait.ge [sflag:s11], $0x3600  }
0x11: {  	[sflag:s11] =	ssyncset.done $0x0  }
0x12: {  	s18 =	simm.s32 $0x3600;
	[sflag:s11] =	ssyncadd.s32 $0xFFFFCA00  }
0x13: {  	[tilespmem:s18], [sflag:$0x2] =	stream.linear.gather [hbm4b:s7+s3], $0x3600, $0x38;
	[tilespmem:$0x16C00] =	vst v63  }
0x14: {  	_ =	swait.ge [sflag:s11], $0x3600  }
0x15: {  	[sflag:s11] =	ssyncset.done $0x0  }
0x16: {  	[sflag:s11] =	ssyncadd.s32 $0xFFFFCA00  }
0x17: {  	[spmem:s13], [sflag:s12] =	dma.local [hbm:s8], $0x1400  }
0x18: {  	_ =	swait.ge [sflag:s11], $0x1400  }
0x19: {  	[sflag:s11] =	ssyncset.done $0x0  }
0x1a: {  	[sflag:s11] =	ssyncadd.s32 $0xFFFFEC00  }
0x1b: {  	[bflag:$0x0] =	sbarrier.arrive $0xFFFF  }
0x1c: {  	[tilespmem:s15], [sflag:$0x1] =	stream.indirect.gather [hbm4b:s4+s14], $0x40, s3, s14, $0xb8;
	[tilespmem:$0x16C00] =	vst v63  }
0x1d: {  	p0 =	sne.s32 s5, $0x1;
	_ =	swait.ge [sflag:s16], $0x6000  }
.Ltmp0:
0x1e: {  	[sflag:s16] =	ssyncset.done $0x0;
	(pc) =	sbr.rel @!p0 .LBB2_3-.Ltmp0, $4  }
0x1f: {  	[sflag:s16] =	ssyncadd.s32 $0xFFFFA000  }
0x20: {  	[spmem:s2] =	stream.indirect.scatter.add.f32 [tilespmem:s15], [sflag:$0x2], $0x40, s18, s14, $0xb8;
	[tilespmem:$0x16C00] =	vst v63  }
0x21: {  	_ =	swait.ge [sflag:s11], $0x6000  }
0x22: {  	s19 =	sadd.s32 $0xFFFFFFFF, s5;
	s20 =	simm.s32 $0x0;
	[sflag:s11] =	ssyncset.done $0x0  }
.LBB2_2:
0x23: {  	[sflag:s11] =	ssyncadd.s32 $0xFFFFA000;
	s18 =	sadd.s32 $0x180, s18;
	s20 =	sadd.s32 $0x180, s20  }
0x24: {  	[tilespmem:s15], [sflag:$0x1] =	stream.indirect.gather [hbm4b:s4+s14], $0x40, s20, s14, $0xb8;
	[tilespmem:$0x16C00] =	vst v63  }
0x25: {  	p0 =	sne.s32 s19, $0x1;
	s19 =	sadd.s32 $0xFFFFFFFF, s19;
	_ =	swait.ge [sflag:s16], $0x6000  }
.Ltmp1:
0x26: {  	[sflag:s16] =	ssyncset.done $0x0;
	(pc) =	sbr.rel @p0 .LBB2_2-.Ltmp1, $4  }
0x27: {  	[sflag:s16] =	ssyncadd.s32 $0xFFFFA000  }
0x28: {  	[spmem:s2] =	stream.indirect.scatter.add.f32 [tilespmem:s15], [sflag:$0x2], $0x40, s18, s14, $0xb8;
	[tilespmem:$0x16C00] =	vst v63  }
0x29: {  	_ =	swait.ge [sflag:s11], $0x6000  }
0x2a: {  	[sflag:s11] =	ssyncset.done $0x0  }
.LBB2_3:
0x2b: {  	s17 =	sadd.s32 $0x1, s17  }
0x2c: {  	[sflag:s11] =	ssyncadd.s32 $0xFFFFA000;
	p0 =	sne.s32 s17, s10  }
.Ltmp2:
0x2d: {  	[bflag:$0x0] =	sbarrier.arrive $0xFFFF;
	(pc) =	sbr.rel @p0 .LBB2_1-.Ltmp2, $4  }
0x2e: {  	[hbm:s9], [sflag:s12] =	dma.local [spmem:s13], $0x1400  }
0x2f: {  	_ =	swait.ge [sflag:s11], $0x1400  }
0x30: {  	[sflag:s11] =	ssyncset.done $0x0  }
0x31: {  	[sflag:s11] =	ssyncadd.s32 $0xFFFFEC00  }
0x32: {  	_ =	sfence.sel $0x180000  }
0x33: {  	[bflag:$0x0] =	sbarrier.arrive $0xFFFF  }
0x34: {  	p0 =	sne.s32 s0, $0x0;
	_ =	strace $0x90000050  }
0x35: {  	s0 =	sadd.s32 @!p0 $0x100000, s1;
	[bflag:$0x2] =	sbarrier.arrive $0xFFFF  }
0x36: {  	[sflag:s0] =	ssyncadd.tile.s32 @!p0 $0x1;
	_ =	shalt  }
.Lfunc_end2:
_tile_overlayer_lowered:
.L_overlay_start_2:
0x37: {  	(tag) =	ssettag $0x2  }
0x38: {  	s0 =	rddreg [dreg:$0x0];
	s2 =	stileid.u32  }
0x39: {  	s1 =	rddreg [dreg:$0x1];
	p0 =	sne.s32 s2, $0x0  }
0x3a: {  	s3 =	rddreg [dreg:$0x2];
	[bflag:$0x3] =	sbarrier.arrive $0xFFFF;
	s2 =	simm.s32 @!p0 $0x1C02  }
0x3b: {  	[timem:s3], [sflag:s2] =	dma.local @!p0 [hbm:s0], s1  }
0x3c: {  	s0 =	simm.s32 @!p0 $0x2  }
0x3d: {  	_ =	swait.ge @!p0 [sflag:s0], s1  }
0x3e: {  	s1 =	ssub.s32 @!p0 $0x0, s1;
	[sflag:s0] =	ssyncset.done @!p0 $0x0  }
0x3f: {  	[sflag:s0] =	ssyncadd.s32 @!p0 s1  }
0x40: {  	[bflag:$0x3] =	sbarrier.arrive $0xFFFF  }
0x41: {  	_ =	shalt  }

</sc_bundles>
